<compile_context>
chip_gen: v7x
topology: tpu7x:2x2x1
jax: 0.10.2.dev20260603
libtpu: 0.0.44.dev20260713+nightly
codegen_flags: <defaults>
</compile_context>

<pallas_src>
import dataclasses
import functools

import jax
import jax.numpy as jnp
from jax import lax
from jax.experimental import pallas as pl
from jax.experimental.pallas import tpu as pltpu
from jax.experimental.pallas import tpu_sc as plsc

B, L, D = 4, 4096, 1024
NH = 16
KLM = 100
KPAD = 112
KOUT = 112
DH = D // NH
MININT = -(2 ** 31)


def _scalar(v):
    return jnp.max(v)


def _sc_body(w_hbm, skip_hbm, out_hbm, wv, sbv, hist, idxbuf, idxloc, rows,
             shidx):
    wid = lax.axis_index("c") * 16 + lax.axis_index("s")
    b = wid // 8
    j = wid % 8
    local_b = (wid // 8) % 2

    lane = lax.iota(jnp.int32, 16)
    ones = jnp.ones((16,), jnp.int32)
    zero16 = jnp.zeros((16,), jnp.int32)

    @pl.when(j == 0)
    def _():
        pltpu.sync_copy(w_hbm.at[b], wv)

        @pl.loop(0, 1024, step=64)
        def _(i):
            for u in range(4):
                hist[pl.ds(i + 16 * u, 16)] = zero16

        @pl.loop(0, L, step=64)
        def _(i):
            for u in range(4):
                o = i + 16 * u
                v = plsc.bitcast(wv[pl.ds(o, 16)], jnp.int32)
                sb = jnp.where(v >= 0, v ^ MININT, ~v)
                sbv[pl.ds(o, 16)] = sb
                bucket = lax.shift_right_logical(sb, 24) + 256 * u
                plsc.addupdate_scatter(hist, [bucket], ones)

        def _bcast_last(v):
            return jnp.zeros((16,), jnp.int32) + jnp.max(v)

        def find_bucket(total_v, need_v):
            thr = total_v - need_v

            def body(v, carry):
                cum, bk, cumb, hb = carry
                h = (hist[pl.ds(16 * v, 16)] + hist[pl.ds(256 + 16 * v, 16)]
                     + hist[pl.ds(512 + 16 * v, 16)]
                     + hist[pl.ds(768 + 16 * v, 16)])
                cinc = plsc.cumsum(h) + cum
                sel = jnp.logical_and(cinc > thr, (cinc - h) <= thr)
                bk = bk + jnp.where(sel, 16 * v + lane, 0)
                cumb = cumb + jnp.where(sel, cinc, 0)
                hb = hb + jnp.where(sel, h, 0)
                cum = _bcast_last(cinc)
                return cum, bk, cumb, hb

            z4 = jnp.zeros((16,), jnp.int32)
            _, bk, cumb, hb = lax.fori_loop(0, 16, body, (z4, z4, z4, z4))
            return z4 + jnp.max(bk), z4 + jnp.max(cumb), z4 + jnp.max(hb)

        prefix = jnp.zeros((16,), jnp.int32)
        need = jnp.full((16,), KLM, jnp.int32)
        total = jnp.full((16,), L, jnp.int32)
        for shift in (24, 16, 8, 0):
            if shift != 24:
                himask = jnp.int32(-(1 << (shift + 8)))

                @pl.loop(0, 1024, step=64)
                def _(i):
                    for u in range(4):
                        hist[pl.ds(i + 16 * u, 16)] = zero16

                @pl.loop(0, L, step=64)
                def _(i, prefix=prefix, himask=himask, shift=shift):
                    for u in range(4):
                        sb = sbv[pl.ds(i + 16 * u, 16)]
                        active = ((sb ^ prefix) & himask) == 0
                        bucket = (lax.shift_right_logical(sb, shift) & 255
                                  ) + 256 * u
                        plsc.addupdate_scatter(hist, [bucket], ones,
                                               mask=active)

            bk, cumb, hb = find_bucket(total, need)
            need = need - (total - cumb)
            total = hb
            prefix = prefix | jnp.left_shift(bk, shift)

        t_x = prefix ^ MININT

        @pl.loop(0, 128, step=16)
        def _(i):
            idxbuf[pl.ds(i, 16)] = zero16

        def comp_body(c, carry):
            base_v, eqt = carry
            gbase = b * L + 64 * c
            for u in range(4):
                sb = sbv[pl.ds(64 * c + 16 * u, 16)]
                gt = (sb ^ MININT) > t_x
                eq = sb == prefix
                eq_r = plsc.cumsum(eq.astype(jnp.int32))
                take_eq = jnp.logical_and(eq, (eqt + eq_r) <= need)
                msk = jnp.logical_or(gt, take_eq)
                pos_r = plsc.cumsum(msk.astype(jnp.int32))
                idxv = lane + (gbase + 16 * u)
                dst = jnp.maximum(base_v + pos_r - 1, 0)
                plsc.store_scatter(idxbuf, [dst], idxv, mask=msk)
                base_v = base_v + plsc.all_reduce_population_count(msk)
                eqt = eqt + plsc.all_reduce_population_count(eq)
            return base_v, eqt

        z2 = jnp.zeros((16,), jnp.int32)
        lax.fori_loop(0, L // 64, comp_body, (z2, z2))

        pltpu.sync_copy(idxbuf, shidx.at[local_b])

    plsc.subcore_barrier()

    @pl.when(j < 7)
    def _():
        pltpu.sync_copy(shidx.at[local_b], idxloc)
        pltpu.sync_copy(skip_hbm.at[idxloc.at[pl.ds(16 * j, 16)]], rows)
        pltpu.sync_copy(rows, out_hbm.at[b, pl.ds(16 * j, 16)])


def _make_sc_kernel():
    cp = pltpu.CompilerParams()
    if "needs_layout_passes" in pltpu.CompilerParams.__dataclass_fields__:
        cp = dataclasses.replace(cp, needs_layout_passes=False)
    mesh = plsc.VectorSubcoreMesh(core_axis_name="c", subcore_axis_name="s")
    return pl.kernel(
        _sc_body,
        out_type=jax.ShapeDtypeStruct((B, KOUT, D), jnp.float32),
        mesh=mesh,
        scratch_types=[
            pltpu.VMEM((L,), jnp.float32),
            pltpu.VMEM((L,), jnp.int32),
            pltpu.VMEM((1024,), jnp.int32),
            pltpu.VMEM((128,), jnp.int32),
            pltpu.VMEM((128,), jnp.int32),
            pltpu.VMEM((16, D), jnp.float32),
            pltpu.VMEM_SHARED((2, 128), jnp.int32),
        ],
        compiler_params=cp,
    )


def _tc_body(q_ref, lkv_ref, wq_ref, bq_ref, wk_ref, bk_ref, wv_ref, bv_ref,
             wo_ref, bo_ref, o_ref):
    nt = (((1,), (1,)), ((), ()))
    nn = (((1,), (0,)), ((), ()))
    q = q_ref[...]
    lkv = lkv_ref[...]
    Q = lax.dot_general(q, wq_ref[...], nt) + bq_ref[...]
    Kp = lax.dot_general(lkv, wk_ref[...], nt) + bk_ref[...]
    Vp = lax.dot_general(lkv, wv_ref[...], nt) + bv_ref[...]

    di = lax.broadcasted_iota(jnp.int32, (D, NH), 0)
    hi = lax.broadcasted_iota(jnp.int32, (D, NH), 1)
    S = jnp.where(di // DH == hi, 1.0, 0.0).astype(jnp.float32)

    scale = DH ** -0.5
    outs = []
    for b in range(B):
        kb = lax.slice(Kp, (b * KOUT, 0), (b * KOUT + KLM, D))
        vb = lax.slice(Vp, (b * KOUT, 0), (b * KOUT + KLM, D))
        qb = lax.slice(Q, (b, 0), (b + 1, D))
        sc = lax.dot_general(kb * qb, S, nn) * scale
        m = jnp.max(sc, axis=0, keepdims=True)
        p = jnp.exp(sc - m)
        probs = p / jnp.sum(p, axis=0, keepdims=True)
        p2 = lax.dot_general(probs, S, nt)
        outs.append(jnp.sum(p2 * vb, axis=0, keepdims=True))
    attn = jnp.concatenate(outs, axis=0)
    o_ref[...] = lax.dot_general(attn, wo_ref[...], nt) + bo_ref[...]


def _tc_attention(q, lkv, Wq, bq, Wk, bk, Wv, bv, Wo, bo):
    return pl.pallas_call(
        _tc_body,
        out_shape=jax.ShapeDtypeStruct((B, D), jnp.float32),
    )(q, lkv, Wq, bq.reshape(1, D), Wk, bk.reshape(1, D),
      Wv, bv.reshape(1, D), Wo, bo.reshape(1, D))


def kernel(mamba_output, hawkes_skip, hawkes_weights, Wq, bq, Wk, bk, Wv, bv,
           Wo, bo):
    skip2d = hawkes_skip.reshape(B * L, D)
    lkv = _make_sc_kernel()(hawkes_weights, skip2d)
    lkv = lkv.reshape(B * KOUT, D)
    q = mamba_output[:, L - 1, :]
    return _tc_attention(q, lkv, Wq, bq, Wk, bk, Wv, bv, Wo, bo)

# --- scband reference (transcript-rebuilt; emitter-appended) ---
"""Pipeline reference for scband-hawkes-landmark-attention-6674379178503 (READ-ONLY COPY).

The authoritative reference and input builder live on the scoring server;
editing this copy changes nothing except your own understanding.
"""

import jax, jax.numpy as jnp
import numpy as np

B, L, D = 4, 4096, 1024
N_HEADS = 16
MAX_LANDMARKS = 100


def setup_inputs(seed: int = 0) -> dict:
    key = jax.random.key(seed)
    ks = jax.random.split(key, 11)
    s = 1.0 / np.sqrt(D)
    return {
        "mamba_output": jax.random.normal(ks[0], (B, L, D), dtype=jnp.float32),
        "hawkes_skip": jax.random.normal(ks[1], (B, L, D), dtype=jnp.float32),
        "hawkes_weights": jax.random.normal(ks[2], (B, L), dtype=jnp.float32),
        "Wq": jax.random.normal(ks[3], (D, D), dtype=jnp.float32) * s,
        "bq": jax.random.normal(ks[4], (D,), dtype=jnp.float32) * 0.01,
        "Wk": jax.random.normal(ks[5], (D, D), dtype=jnp.float32) * s,
        "bk": jax.random.normal(ks[6], (D,), dtype=jnp.float32) * 0.01,
        "Wv": jax.random.normal(ks[7], (D, D), dtype=jnp.float32) * s,
        "bv": jax.random.normal(ks[8], (D,), dtype=jnp.float32) * 0.01,
        "Wo": jax.random.normal(ks[9], (D, D), dtype=jnp.float32) * s,
        "bo": jax.random.normal(ks[10], (D,), dtype=jnp.float32) * 0.01,
    }


def reference(mamba_output, hawkes_skip, hawkes_weights, Wq, bq, Wk, bk, Wv, bv, Wo, bo):
    b, l, d = hawkes_skip.shape
    d_head = d // N_HEADS
    scale = d_head ** (-0.5)
    k = min(MAX_LANDMARKS, l)
    # Hawkes-based landmark selection: top-k over scalar weights, then sort to temporal order
    _, landmark_idx = jax.lax.top_k(hawkes_weights, k)
    landmark_idx_sorted = jnp.sort(landmark_idx, axis=1)
    # gather landmark ticks from skip connection
    landmark_kv = jnp.take_along_axis(hawkes_skip, landmark_idx_sorted[:, :, None], axis=1)
    # query is the last Mamba state
    query = mamba_output[:, -1:, :]
    Q = (query @ Wq.T + bq).reshape(b, 1, N_HEADS, d_head).transpose(0, 2, 1, 3)
    K = (landmark_kv @ Wk.T + bk).reshape(b, k, N_HEADS, d_head).transpose(0, 2, 1, 3)
    V = (landmark_kv @ Wv.T + bv).reshape(b, k, N_HEADS, d_head).transpose(0, 2, 1, 3)
    attn_scores = Q @ jnp.swapaxes(K, -2, -1) * scale
    attn_probs = jax.nn.softmax(attn_scores, axis=-1)
    attn_out = (attn_probs @ V).transpose(0, 2, 1, 3).reshape(b, 1, d)
    return attn_out[:, 0, :] @ Wo.T + bo

if __name__ == "__main__":
    import jax
    _d = setup_inputs()
    print(jax.jit(kernel)(*tuple(_d.values())))

</pallas_src>

<mosaic_0001>
#map = affine_map<(d0, d1) -> (0, 0)>
#map1 = affine_map<(d0, d1) -> (0, 0, 0)>
module attributes {stable_mosaic.version = 14 : i64} {
  func.func @_sc_body(%arg0: i32, %arg1: i32, %arg2: memref<4x4096xf32, #tpu.memory_space<hbm>>, %arg3: memref<16384x1024xf32, #tpu.memory_space<hbm>>, %arg4: memref<4x112x1024xf32, #tpu.memory_space<hbm>>, %arg5: memref<4096xf32, #tpu.memory_space<vmem>>, %arg6: memref<4096xi32, #tpu.memory_space<vmem>>, %arg7: memref<1024xi32, #tpu.memory_space<vmem>>, %arg8: memref<128xi32, #tpu.memory_space<vmem>>, %arg9: memref<128xi32, #tpu.memory_space<vmem>>, %arg10: memref<16x1024xf32, #tpu.memory_space<vmem>>, %arg11: memref<2x128xi32, #tpu.memory_space<vmem_shared>>) attributes {dimension_semantics = [#tpu.dimension_semantics<core_parallel>, #tpu.dimension_semantics<subcore_parallel>], iteration_bounds = array<i64: 2, 16>, scalar_prefetch = 0 : i64, scratch_operands = 7 : i64, tpu.core_type = #tpu.core_type<sc_vector_subcore>, window_params = [{transform_indices = #map}, {transform_indices = #map}, {transform_indices = #map1}]} {
    %mul3A = arith.constant 16 : i32
    %mul3A_0 = arith.muli %arg0, %mul3A : i32
    %add3A = arith.addi %mul3A_0, %arg1 : i32
    %jit3A = arith.constant 8 : i32
    %div3A = arith.divsi %add3A, %jit3A : i32
    %sign3A = arith.constant 0 : i32
    %sign3A_1 = arith.cmpi sgt, %add3A, %sign3A : i32
    %sign3A_2 = arith.extui %sign3A_1 : i1 to i32
    %sign3A_3 = arith.constant 0 : i32
    %sign3A_4 = arith.cmpi slt, %add3A, %sign3A_3 : i32
    %sign3A_5 = arith.extui %sign3A_4 : i1 to i32
    %sign3A_6 = arith.subi %sign3A_2, %sign3A_5 : i32
    %sign3A_7 = arith.constant 0 : i32
    %sign3A_8 = arith.cmpi sgt, %jit3A, %sign3A_7 : i32
    %sign3A_9 = arith.extui %sign3A_8 : i1 to i32
    %sign3A_10 = arith.constant 0 : i32
    %sign3A_11 = arith.cmpi slt, %jit3A, %sign3A_10 : i32
    %sign3A_12 = arith.extui %sign3A_11 : i1 to i32
    %sign3A_13 = arith.subi %sign3A_9, %sign3A_12 : i32
    %ne3A = arith.cmpi ne, %sign3A_6, %sign3A_13 : i32
    %rem3A = arith.remsi %add3A, %jit3A : i32
    %ne3A_14 = arith.constant 0 : i32
    %ne3A_15 = arith.cmpi ne, %rem3A, %ne3A_14 : i32
    %and3A = arith.andi %ne3A, %ne3A_15 : i1
    %sub3A = arith.constant 1 : i32
    %sub3A_16 = arith.subi %div3A, %sub3A : i32
    %select_n3A = arith.select %and3A, %sub3A_16, %div3A : i32
    %jit3A_17 = arith.constant 8 : i32
    %eq3A = arith.constant 0 : i32
    %eq3A_18 = arith.cmpi eq, %jit3A_17, %eq3A : i32
    %jit3A_19 = arith.constant 1 : i32
    %select_n3A_20 = arith.select %eq3A_18, %jit3A_19, %jit3A_17 : i32
    %rem3A_21 = arith.remsi %add3A, %select_n3A_20 : i32
    %ne3A_22 = arith.constant 0 : i32
    %ne3A_23 = arith.cmpi ne, %rem3A_21, %ne3A_22 : i32
    %lt3A = arith.constant 0 : i32
    %lt3A_24 = arith.cmpi slt, %rem3A_21, %lt3A : i32
    %lt3A_25 = arith.constant 0 : i32
    %lt3A_26 = arith.cmpi slt, %select_n3A_20, %lt3A_25 : i32
    %ne3A_27 = arith.xori %lt3A_24, %lt3A_26 : i1
    %and3A_28 = arith.andi %ne3A_27, %ne3A_23 : i1
    %add3A_29 = arith.addi %rem3A_21, %select_n3A_20 : i32
    %select_n3A_30 = arith.select %and3A_28, %add3A_29, %rem3A_21 : i32
    %jit3A_31 = arith.constant 8 : i32
    %div3A_32 = arith.divsi %add3A, %jit3A_31 : i32
    %sign3A_33 = arith.constant 0 : i32
    %sign3A_34 = arith.cmpi sgt, %add3A, %sign3A_33 : i32
    %sign3A_35 = arith.extui %sign3A_34 : i1 to i32
    %sign3A_36 = arith.constant 0 : i32
    %sign3A_37 = arith.cmpi slt, %add3A, %sign3A_36 : i32
    %sign3A_38 = arith.extui %sign3A_37 : i1 to i32
    %sign3A_39 = arith.subi %sign3A_35, %sign3A_38 : i32
    %sign3A_40 = arith.constant 0 : i32
    %sign3A_41 = arith.cmpi sgt, %jit3A_31, %sign3A_40 : i32
    %sign3A_42 = arith.extui %sign3A_41 : i1 to i32
    %sign3A_43 = arith.constant 0 : i32
    %sign3A_44 = arith.cmpi slt, %jit3A_31, %sign3A_43 : i32
    %sign3A_45 = arith.extui %sign3A_44 : i1 to i32
    %sign3A_46 = arith.subi %sign3A_42, %sign3A_45 : i32
    %ne3A_47 = arith.cmpi ne, %sign3A_39, %sign3A_46 : i32
    %rem3A_48 = arith.remsi %add3A, %jit3A_31 : i32
    %ne3A_49 = arith.constant 0 : i32
    %ne3A_50 = arith.cmpi ne, %rem3A_48, %ne3A_49 : i32
    %and3A_51 = arith.andi %ne3A_47, %ne3A_50 : i1
    %sub3A_52 = arith.constant 1 : i32
    %sub3A_53 = arith.subi %div3A_32, %sub3A_52 : i32
    %select_n3A_54 = arith.select %and3A_51, %sub3A_53, %div3A_32 : i32
    %jit3A_55 = arith.constant 2 : i32
    %eq3A_56 = arith.constant 0 : i32
    %eq3A_57 = arith.cmpi eq, %jit3A_55, %eq3A_56 : i32
    %jit3A_58 = arith.constant 1 : i32
    %select_n3A_59 = arith.select %eq3A_57, %jit3A_58, %jit3A_55 : i32
    %rem3A_60 = arith.remsi %select_n3A_54, %select_n3A_59 : i32
    %ne3A_61 = arith.constant 0 : i32
    %ne3A_62 = arith.cmpi ne, %rem3A_60, %ne3A_61 : i32
    %lt3A_63 = arith.constant 0 : i32
    %lt3A_64 = arith.cmpi slt, %rem3A_60, %lt3A_63 : i32
    %lt3A_65 = arith.constant 0 : i32
    %lt3A_66 = arith.cmpi slt, %select_n3A_59, %lt3A_65 : i32
    %ne3A_67 = arith.xori %lt3A_64, %lt3A_66 : i1
    %and3A_68 = arith.andi %ne3A_67, %ne3A_62 : i1
    %add3A_69 = arith.addi %rem3A_60, %select_n3A_59 : i32
    %select_n3A_70 = arith.select %and3A_68, %add3A_69, %rem3A_60 : i32
    %iota3A = tpu.iota {dimensions = array<i32: 0>} : vector<16xi32>
    %broadcast_in_dim3A = arith.constant 1 : i32
    %broadcast_in_dim3A_71 = vector.broadcast %broadcast_in_dim3A : i32 to vector<16xi32>
    %broadcast_in_dim3A_72 = arith.constant 0 : i32
    %broadcast_in_dim3A_73 = vector.broadcast %broadcast_in_dim3A_72 : i32 to vector<16xi32>
    %eq3A_74 = arith.constant 0 : i32
    %eq3A_75 = arith.cmpi eq, %select_n3A_30, %eq3A_74 : i32
    %convert_element_type3A = arith.extui %eq3A_75 : i1 to i32
    %cond3A = arith.constant 0 : i32
    %cond3A_76 = arith.cmpi ne, %convert_element_type3A, %cond3A : i32
    scf.if %cond3A_76 {
      "tpu.region"() ({
        %run_scoped3A = tpu.sem_alloc : memref<!tpu.dma_semaphore, #tpu.memory_space<semaphore_mem>>
        %dma_start3A = arith.constant 0 : i32
        %dma_start3A_322 = tpu.memref_slice %arg2[%select_n3A, %dma_start3A] : memref<4x4096xf32, #tpu.memory_space<hbm>> -> memref<1x4096xf32, #tpu.memory_space<hbm>>
        %dma_start3A_323 = tpu.memref_squeeze %dma_start3A_322 : memref<1x4096xf32, #tpu.memory_space<hbm>> -> memref<4096xf32, #tpu.memory_space<hbm>>
        %dma_start3A_324 = arith.constant 0 : i32
        %dma_start3A_325 = tpu.memref_slice %arg2[%select_n3A, %dma_start3A_324] : memref<4x4096xf32, #tpu.memory_space<hbm>> -> memref<1x4096xf32, #tpu.memory_space<hbm>>
        %dma_start3A_326 = tpu.memref_squeeze %dma_start3A_325 : memref<1x4096xf32, #tpu.memory_space<hbm>> -> memref<4096xf32, #tpu.memory_space<hbm>>
        tpu.enqueue_dma source(%dma_start3A_326 : memref<4096xf32, #tpu.memory_space<hbm>>) target(%arg5 : memref<4096xf32, #tpu.memory_space<vmem>>) target_semaphore(%run_scoped3A : memref<!tpu.dma_semaphore, #tpu.memory_space<semaphore_mem>>)
        %dma_wait3A = arith.constant 0 : i32
        %dma_wait3A_327 = tpu.memref_slice %arg2[%select_n3A, %dma_wait3A] : memref<4x4096xf32, #tpu.memory_space<hbm>> -> memref<1x4096xf32, #tpu.memory_space<hbm>>
        %dma_wait3A_328 = tpu.memref_squeeze %dma_wait3A_327 : memref<1x4096xf32, #tpu.memory_space<hbm>> -> memref<4096xf32, #tpu.memory_space<hbm>>
        %dma_wait3A_329 = arith.constant 0 : i32
        %dma_wait3A_330 = tpu.memref_slice %arg2[%select_n3A, %dma_wait3A_329] : memref<4x4096xf32, #tpu.memory_space<hbm>> -> memref<1x4096xf32, #tpu.memory_space<hbm>>
        %dma_wait3A_331 = tpu.memref_squeeze %dma_wait3A_330 : memref<1x4096xf32, #tpu.memory_space<hbm>> -> memref<4096xf32, #tpu.memory_space<hbm>>
        tpu.wait_dma2 semaphore(%run_scoped3A : memref<!tpu.dma_semaphore, #tpu.memory_space<semaphore_mem>>) src(%dma_wait3A_331 : memref<4096xf32, #tpu.memory_space<hbm>>) dst(%arg5 : memref<4096xf32, #tpu.memory_space<vmem>>)
        tpu.yield
      }) : () -> ()
      %scan3A = arith.constant 0 : i32
      %scan3A_82 = arith.constant 16 : i32
      %scan3A_83 = arith.addi %scan3A, %scan3A_82 : i32
      %scan3A_84 = arith.constant 1 : i32
      scf.for %scan3A_322 = %scan3A to %scan3A_83 step %scan3A_84  : i32 {
        %mul3A_323 = arith.constant 64 : i32
        %mul3A_324 = arith.muli %scan3A_322, %mul3A_323 : i32
        %add3A_325 = arith.constant 0 : i32
        %add3A_326 = arith.addi %add3A_325, %mul3A_324 : i32
        %add3A_327 = arith.constant 0 : i32
        %add3A_328 = arith.addi %add3A_326, %add3A_327 : i32
        %swap3A = arith.index_cast %add3A_328 : i32 to index
        %swap3A_329 = tpu.vector_load %arg7[%swap3A] {strides = array<i32>} : memref<1024xi32, #tpu.memory_space<vmem>>, vector<16xi32>,
        tpu.vector_store %arg7[%swap3A], %broadcast_in_dim3A_73 {strides = array<i32>} : memref<1024xi32, #tpu.memory_space<vmem>>, vector<16xi32>,
        %add3A_330 = arith.constant 16 : i32
        %add3A_331 = arith.addi %add3A_326, %add3A_330 : i32
        %swap3A_332 = arith.index_cast %add3A_331 : i32 to index
        %swap3A_333 = tpu.vector_load %arg7[%swap3A_332] {strides = array<i32>} : memref<1024xi32, #tpu.memory_space<vmem>>, vector<16xi32>,
        tpu.vector_store %arg7[%swap3A_332], %broadcast_in_dim3A_73 {strides = array<i32>} : memref<1024xi32, #tpu.memory_space<vmem>>, vector<16xi32>,
        %add3A_334 = arith.constant 32 : i32
        %add3A_335 = arith.addi %add3A_326, %add3A_334 : i32
        %swap3A_336 = arith.index_cast %add3A_335 : i32 to index
        %swap3A_337 = tpu.vector_load %arg7[%swap3A_336] {strides = array<i32>} : memref<1024xi32, #tpu.memory_space<vmem>>, vector<16xi32>,
        tpu.vector_store %arg7[%swap3A_336], %broadcast_in_dim3A_73 {strides = array<i32>} : memref<1024xi32, #tpu.memory_space<vmem>>, vector<16xi32>,
        %add3A_338 = arith.constant 48 : i32
        %add3A_339 = arith.addi %add3A_326, %add3A_338 : i32
        %swap3A_340 = arith.index_cast %add3A_339 : i32 to index
        %swap3A_341 = tpu.vector_load %arg7[%swap3A_340] {strides = array<i32>} : memref<1024xi32, #tpu.memory_space<vmem>>, vector<16xi32>,
        tpu.vector_store %arg7[%swap3A_340], %broadcast_in_dim3A_73 {strides = array<i32>} : memref<1024xi32, #tpu.memory_space<vmem>>, vector<16xi32>,
      }
      %scan3A_85 = arith.constant 16 : i32
      %scan3A_86 = arith.constant 0 : i32
      %scan3A_87 = arith.constant 64 : i32
      %scan3A_88 = arith.addi %scan3A_86, %scan3A_87 : i32
      %scan3A_89 = arith.constant 1 : i32
      scf.for %scan3A_322 = %scan3A_86 to %scan3A_88 step %scan3A_89  : i32 {
        %mul3A_323 = arith.constant 64 : i32
        %mul3A_324 = arith.muli %scan3A_322, %mul3A_323 : i32
        %add3A_325 = arith.constant 0 : i32
        %add3A_326 = arith.addi %add3A_325, %mul3A_324 : i32
        %add3A_327 = arith.constant 0 : i32
        %add3A_328 = arith.addi %add3A_326, %add3A_327 : i32
        %get3A = arith.index_cast %add3A_328 : i32 to index
        %get3A_329 = tpu.vector_load %arg5[%get3A] {strides = array<i32>} : memref<4096xf32, #tpu.memory_space<vmem>>, vector<16xf32>,
        %bitcast3A = vector.bitcast %get3A_329 : vector<16xf32> to vector<16xi32>
        %ge3A = arith.constant 0 : i32
        %ge3A_330 = vector.broadcast %ge3A : i32 to vector<16xi32>
        %ge3A_331 = arith.cmpi sge, %bitcast3A, %ge3A_330 : vector<16xi32>
        %xor3A_332 = arith.constant -2147483648 : i32
        %xor3A_333 = vector.broadcast %xor3A_332 : i32 to vector<16xi32>
        %xor3A_334 = arith.xori %bitcast3A, %xor3A_333 : vector<16xi32>
        %not3A = arith.constant dense<-1> : vector<16xi32>
        %not3A_335 = arith.xori %bitcast3A, %not3A : vector<16xi32>
        %select_n3A_336 = arith.select %ge3A_331, %xor3A_334, %not3A_335 : vector<16xi1>, vector<16xi32>
        %swap3A = arith.index_cast %add3A_328 : i32 to index
        %swap3A_337 = tpu.vector_load %arg6[%swap3A] {strides = array<i32>} : memref<4096xi32, #tpu.memory_space<vmem>>, vector<16xi32>,
        tpu.vector_store %arg6[%swap3A], %select_n3A_336 {strides = array<i32>} : memref<4096xi32, #tpu.memory_space<vmem>>, vector<16xi32>,
        %shift_right_logical3A = arith.constant 24 : i32
        %shift_right_logical3A_338 = vector.broadcast %shift_right_logical3A : i32 to vector<16xi32>
        %shift_right_logical3A_339 = arith.shrui %select_n3A_336, %shift_right_logical3A_338 : vector<16xi32>
        %add3A_340 = arith.constant 0 : i32
        %add3A_341 = vector.broadcast %add3A_340 : i32 to vector<16xi32>
        %add3A_342 = arith.addi %shift_right_logical3A_339, %add3A_341 : vector<16xi32>
        tpu.vector_store_idx %arg7[%add3A_342], %broadcast_in_dim3A_71 {add = true} : memref<1024xi32, #tpu.memory_space<vmem>>[vector<16xi32>], vector<16xi32>,
        %add3A_343 = arith.constant 16 : i32
        %add3A_344 = arith.addi %add3A_326, %add3A_343 : i32
        %get3A_345 = arith.index_cast %add3A_344 : i32 to index
        %get3A_346 = tpu.vector_load %arg5[%get3A_345] {strides = array<i32>} : memref<4096xf32, #tpu.memory_space<vmem>>, vector<16xf32>,
        %bitcast3A_347 = vector.bitcast %get3A_346 : vector<16xf32> to vector<16xi32>
        %ge3A_348 = arith.constant 0 : i32
        %ge3A_349 = vector.broadcast %ge3A_348 : i32 to vector<16xi32>
        %ge3A_350 = arith.cmpi sge, %bitcast3A_347, %ge3A_349 : vector<16xi32>
        %xor3A_351 = arith.constant -2147483648 : i32
        %xor3A_352 = vector.broadcast %xor3A_351 : i32 to vector<16xi32>
        %xor3A_353 = arith.xori %bitcast3A_347, %xor3A_352 : vector<16xi32>
        %not3A_354 = arith.constant dense<-1> : vector<16xi32>
        %not3A_355 = arith.xori %bitcast3A_347, %not3A_354 : vector<16xi32>
        %select_n3A_356 = arith.select %ge3A_350, %xor3A_353, %not3A_355 : vector<16xi1>, vector<16xi32>
        %swap3A_357 = arith.index_cast %add3A_344 : i32 to index
        %swap3A_358 = tpu.vector_load %arg6[%swap3A_357] {strides = array<i32>} : memref<4096xi32, #tpu.memory_space<vmem>>, vector<16xi32>,
        tpu.vector_store %arg6[%swap3A_357], %select_n3A_356 {strides = array<i32>} : memref<4096xi32, #tpu.memory_space<vmem>>, vector<16xi32>,
        %shift_right_logical3A_359 = arith.constant 24 : i32
        %shift_right_logical3A_360 = vector.broadcast %shift_right_logical3A_359 : i32 to vector<16xi32>
        %shift_right_logical3A_361 = arith.shrui %select_n3A_356, %shift_right_logical3A_360 : vector<16xi32>
        %add3A_362 = arith.constant 256 : i32
        %add3A_363 = vector.broadcast %add3A_362 : i32 to vector<16xi32>
        %add3A_364 = arith.addi %shift_right_logical3A_361, %add3A_363 : vector<16xi32>
        tpu.vector_store_idx %arg7[%add3A_364], %broadcast_in_dim3A_71 {add = true} : memref<1024xi32, #tpu.memory_space<vmem>>[vector<16xi32>], vector<16xi32>,
        %add3A_365 = arith.constant 32 : i32
        %add3A_366 = arith.addi %add3A_326, %add3A_365 : i32
        %get3A_367 = arith.index_cast %add3A_366 : i32 to index
        %get3A_368 = tpu.vector_load %arg5[%get3A_367] {strides = array<i32>} : memref<4096xf32, #tpu.memory_space<vmem>>, vector<16xf32>,
        %bitcast3A_369 = vector.bitcast %get3A_368 : vector<16xf32> to vector<16xi32>
        %ge3A_370 = arith.constant 0 : i32
        %ge3A_371 = vector.broadcast %ge3A_370 : i32 to vector<16xi32>
        %ge3A_372 = arith.cmpi sge, %bitcast3A_369, %ge3A_371 : vector<16xi32>
        %xor3A_373 = arith.constant -2147483648 : i32
        %xor3A_374 = vector.broadcast %xor3A_373 : i32 to vector<16xi32>
        %xor3A_375 = arith.xori %bitcast3A_369, %xor3A_374 : vector<16xi32>
        %not3A_376 = arith.constant dense<-1> : vector<16xi32>
        %not3A_377 = arith.xori %bitcast3A_369, %not3A_376 : vector<16xi32>
        %select_n3A_378 = arith.select %ge3A_372, %xor3A_375, %not3A_377 : vector<16xi1>, vector<16xi32>
        %swap3A_379 = arith.index_cast %add3A_366 : i32 to index
        %swap3A_380 = tpu.vector_load %arg6[%swap3A_379] {strides = array<i32>} : memref<4096xi32, #tpu.memory_space<vmem>>, vector<16xi32>,
        tpu.vector_store %arg6[%swap3A_379], %select_n3A_378 {strides = array<i32>} : memref<4096xi32, #tpu.memory_space<vmem>>, vector<16xi32>,
        %shift_right_logical3A_381 = arith.constant 24 : i32
        %shift_right_logical3A_382 = vector.broadcast %shift_right_logical3A_381 : i32 to vector<16xi32>
        %shift_right_logical3A_383 = arith.shrui %select_n3A_378, %shift_right_logical3A_382 : vector<16xi32>
        %add3A_384 = arith.constant 512 : i32
        %add3A_385 = vector.broadcast %add3A_384 : i32 to vector<16xi32>
        %add3A_386 = arith.addi %shift_right_logical3A_383, %add3A_385 : vector<16xi32>
        tpu.vector_store_idx %arg7[%add3A_386], %broadcast_in_dim3A_71 {add = true} : memref<1024xi32, #tpu.memory_space<vmem>>[vector<16xi32>], vector<16xi32>,
        %add3A_387 = arith.constant 48 : i32
        %add3A_388 = arith.addi %add3A_326, %add3A_387 : i32
        %get3A_389 = arith.index_cast %add3A_388 : i32 to index
        %get3A_390 = tpu.vector_load %arg5[%get3A_389] {strides = array<i32>} : memref<4096xf32, #tpu.memory_space<vmem>>, vector<16xf32>,
        %bitcast3A_391 = vector.bitcast %get3A_390 : vector<16xf32> to vector<16xi32>
        %ge3A_392 = arith.constant 0 : i32
        %ge3A_393 = vector.broadcast %ge3A_392 : i32 to vector<16xi32>
        %ge3A_394 = arith.cmpi sge, %bitcast3A_391, %ge3A_393 : vector<16xi32>
        %xor3A_395 = arith.constant -2147483648 : i32
        %xor3A_396 = vector.broadcast %xor3A_395 : i32 to vector<16xi32>
        %xor3A_397 = arith.xori %bitcast3A_391, %xor3A_396 : vector<16xi32>
        %not3A_398 = arith.constant dense<-1> : vector<16xi32>
        %not3A_399 = arith.xori %bitcast3A_391, %not3A_398 : vector<16xi32>
        %select_n3A_400 = arith.select %ge3A_394, %xor3A_397, %not3A_399 : vector<16xi1>, vector<16xi32>
        %swap3A_401 = arith.index_cast %add3A_388 : i32 to index
        %swap3A_402 = tpu.vector_load %arg6[%swap3A_401] {strides = array<i32>} : memref<4096xi32, #tpu.memory_space<vmem>>, vector<16xi32>,
        tpu.vector_store %arg6[%swap3A_401], %select_n3A_400 {strides = array<i32>} : memref<4096xi32, #tpu.memory_space<vmem>>, vector<16xi32>,
        %shift_right_logical3A_403 = arith.constant 24 : i32
        %shift_right_logical3A_404 = vector.broadcast %shift_right_logical3A_403 : i32 to vector<16xi32>
        %shift_right_logical3A_405 = arith.shrui %select_n3A_400, %shift_right_logical3A_404 : vector<16xi32>
        %add3A_406 = arith.constant 768 : i32
        %add3A_407 = vector.broadcast %add3A_406 : i32 to vector<16xi32>
        %add3A_408 = arith.addi %shift_right_logical3A_405, %add3A_407 : vector<16xi32>
        tpu.vector_store_idx %arg7[%add3A_408], %broadcast_in_dim3A_71 {add = true} : memref<1024xi32, #tpu.memory_space<vmem>>[vector<16xi32>], vector<16xi32>,
      }
      %scan3A_90 = arith.constant 64 : i32
      %broadcast_in_dim3A_91 = arith.constant 0 : i32
      %broadcast_in_dim3A_92 = vector.broadcast %broadcast_in_dim3A_91 : i32 to vector<16xi32>
      %broadcast_in_dim3A_93 = arith.constant 100 : i32
      %broadcast_in_dim3A_94 = vector.broadcast %broadcast_in_dim3A_93 : i32 to vector<16xi32>
      %broadcast_in_dim3A_95 = arith.constant 4096 : i32
      %broadcast_in_dim3A_96 = vector.broadcast %broadcast_in_dim3A_95 : i32 to vector<16xi32>
      %sub3A_97 = arith.subi %broadcast_in_dim3A_96, %broadcast_in_dim3A_94 : vector<16xi32>
      %broadcast_in_dim3A_98 = arith.constant 0 : i32
      %broadcast_in_dim3A_99 = vector.broadcast %broadcast_in_dim3A_98 : i32 to vector<16xi32>
      %scan3A_100 = arith.constant 0 : i32
      %scan3A_101 = arith.constant 16 : i32
      %scan3A_102 = arith.addi %scan3A_100, %scan3A_101 : i32
      %scan3A_103 = arith.constant 1 : i32
      %scan3A_104:4 = scf.for %scan3A_322 = %scan3A_100 to %scan3A_102 step %scan3A_103 iter_args(%scan3A_323 = %broadcast_in_dim3A_99, %scan3A_324 = %broadcast_in_dim3A_99, %scan3A_325 = %broadcast_in_dim3A_99, %scan3A_326 = %broadcast_in_dim3A_99) -> (vector<16xi32>, vector<16xi32>, vector<16xi32>, vector<16xi32>)  : i32 {
        %mul3A_327 = arith.constant 16 : i32
        %mul3A_328 = arith.muli %mul3A_327, %scan3A_322 : i32
        %get3A = arith.index_cast %mul3A_328 : i32 to index
        %get3A_329 = tpu.vector_load %arg7[%get3A] {strides = array<i32>} : memref<1024xi32, #tpu.memory_space<vmem>>, vector<16xi32>,
        %mul3A_330 = arith.constant 16 : i32
        %mul3A_331 = arith.muli %mul3A_330, %scan3A_322 : i32
        %add3A_332 = arith.constant 256 : i32
        %add3A_333 = arith.addi %add3A_332, %mul3A_331 : i32
        %get3A_334 = arith.index_cast %add3A_333 : i32 to index
        %get3A_335 = tpu.vector_load %arg7[%get3A_334] {strides = array<i32>} : memref<1024xi32, #tpu.memory_space<vmem>>, vector<16xi32>,
        %add3A_336 = arith.addi %get3A_329, %get3A_335 : vector<16xi32>
        %mul3A_337 = arith.constant 16 : i32
        %mul3A_338 = arith.muli %mul3A_337, %scan3A_322 : i32
        %add3A_339 = arith.constant 512 : i32
        %add3A_340 = arith.addi %add3A_339, %mul3A_338 : i32
        %get3A_341 = arith.index_cast %add3A_340 : i32 to index
        %get3A_342 = tpu.vector_load %arg7[%get3A_341] {strides = array<i32>} : memref<1024xi32, #tpu.memory_space<vmem>>, vector<16xi32>,
        %add3A_343 = arith.addi %add3A_336, %get3A_342 : vector<16xi32>
        %mul3A_344 = arith.constant 16 : i32
        %mul3A_345 = arith.muli %mul3A_344, %scan3A_322 : i32
        %add3A_346 = arith.constant 768 : i32
        %add3A_347 = arith.addi %add3A_346, %mul3A_345 : i32
        %get3A_348 = arith.index_cast %add3A_347 : i32 to index
        %get3A_349 = tpu.vector_load %arg7[%get3A_348] {strides = array<i32>} : memref<1024xi32, #tpu.memory_space<vmem>>, vector<16xi32>,
        %add3A_350 = arith.addi %add3A_343, %get3A_349 : vector<16xi32>
        %broadcast_in_dim3A_351 = arith.constant true
        %broadcast_in_dim3A_352 = vector.broadcast %broadcast_in_dim3A_351 : i1 to vector<16xi1>
        %masked_cumsum3A = tpu.scan <sum>, %add3A_350 masked %broadcast_in_dim3A_352 : vector<16xi32>, vector<16xi1> -> vector<16xi32>
        %add3A_353 = arith.addi %masked_cumsum3A, %scan3A_323 : vector<16xi32>
        %gt3A = arith.cmpi sgt, %add3A_353, %sub3A_97 : vector<16xi32>
        %sub3A_354 = arith.subi %add3A_353, %add3A_350 : vector<16xi32>
        %le3A = arith.cmpi sle, %sub3A_354, %sub3A_97 : vector<16xi32>
        %and3A_355 = arith.andi %gt3A, %le3A : vector<16xi1>
        %mul3A_356 = arith.constant 16 : i32
        %mul3A_357 = arith.muli %mul3A_356, %scan3A_322 : i32
        %add3A_358 = vector.broadcast %mul3A_357 : i32 to vector<16xi32>
        %add3A_359 = arith.addi %add3A_358, %iota3A : vector<16xi32>
        %jit3A_360 = arith.constant 0 : i32
        %broadcast_in_dim3A_361 = vector.broadcast %jit3A_360 : i32 to vector<16xi32>
        %select_n3A_362 = arith.select %and3A_355, %add3A_359, %broadcast_in_dim3A_361 : vector<16xi1>, vector<16xi32>
        %add3A_363 = arith.addi %scan3A_324, %select_n3A_362 : vector<16xi32>
        %jit3A_364 = arith.constant 0 : i32
        %broadcast_in_dim3A_365 = vector.broadcast %jit3A_364 : i32 to vector<16xi32>
        %select_n3A_366 = arith.select %and3A_355, %add3A_353, %broadcast_in_dim3A_365 : vector<16xi1>, vector<16xi32>
        %add3A_367 = arith.addi %scan3A_325, %select_n3A_366 : vector<16xi32>
        %jit3A_368 = arith.constant 0 : i32
        %broadcast_in_dim3A_369 = vector.broadcast %jit3A_368 : i32 to vector<16xi32>
        %select_n3A_370 = arith.select %and3A_355, %add3A_350, %broadcast_in_dim3A_369 : vector<16xi1>, vector<16xi32>
        %add3A_371 = arith.addi %scan3A_326, %select_n3A_370 : vector<16xi32>
        %broadcast_in_dim3A_372 = arith.constant 0 : i32
        %broadcast_in_dim3A_373 = vector.broadcast %broadcast_in_dim3A_372 : i32 to vector<16xi32>
        %reduce_max3A_374 = arith.constant true
        %reduce_max3A_375 = vector.broadcast %reduce_max3A_374 : i1 to vector<16xi1>
        %reduce_max3A_376 = arith.constant -2147483648 : i32
        %reduce_max3A_377 = vector.broadcast %reduce_max3A_376 : i32 to vector<16xi32>
        %reduce_max3A_378 = arith.xori %add3A_353, %reduce_max3A_377 : vector<16xi32>
        %reduce_max3A_379 = tpu.scan <max>, %reduce_max3A_378 masked %reduce_max3A_375 : vector<16xi32>, vector<16xi1> -> vector<16xi32>
        %reduce_max3A_380 = arith.xori %reduce_max3A_379, %reduce_max3A_377 : vector<16xi32>
        %reduce_max3A_381 = vector.extract %reduce_max3A_380[15] : i32 from vector<16xi32>
        %add3A_382 = vector.broadcast %reduce_max3A_381 : i32 to vector<16xi32>
        %add3A_383 = arith.addi %broadcast_in_dim3A_373, %add3A_382 : vector<16xi32>
        scf.yield %add3A_383, %add3A_363, %add3A_367, %add3A_371 : vector<16xi32>, vector<16xi32>, vector<16xi32>, vector<16xi32>
      }
      %scan3A_105 = arith.constant 16 : i32
      %reduce_max3A = arith.constant true
      %reduce_max3A_106 = vector.broadcast %reduce_max3A : i1 to vector<16xi1>
      %reduce_max3A_107 = arith.constant -2147483648 : i32
      %reduce_max3A_108 = vector.broadcast %reduce_max3A_107 : i32 to vector<16xi32>
      %reduce_max3A_109 = arith.xori %scan3A_104#1, %reduce_max3A_108 : vector<16xi32>
      %reduce_max3A_110 = tpu.scan <max>, %reduce_max3A_109 masked %reduce_max3A_106 : vector<16xi32>, vector<16xi1> -> vector<16xi32>
      %reduce_max3A_111 = arith.xori %reduce_max3A_110, %reduce_max3A_108 : vector<16xi32>
      %reduce_max3A_112 = vector.extract %reduce_max3A_111[15] : i32 from vector<16xi32>
      %add3A_113 = vector.broadcast %reduce_max3A_112 : i32 to vector<16xi32>
      %add3A_114 = arith.addi %broadcast_in_dim3A_99, %add3A_113 : vector<16xi32>
      %reduce_max3A_115 = arith.constant true
      %reduce_max3A_116 = vector.broadcast %reduce_max3A_115 : i1 to vector<16xi1>
      %reduce_max3A_117 = arith.constant -2147483648 : i32
      %reduce_max3A_118 = vector.broadcast %reduce_max3A_117 : i32 to vector<16xi32>
      %reduce_max3A_119 = arith.xori %scan3A_104#2, %reduce_max3A_118 : vector<16xi32>
      %reduce_max3A_120 = tpu.scan <max>, %reduce_max3A_119 masked %reduce_max3A_116 : vector<16xi32>, vector<16xi1> -> vector<16xi32>
      %reduce_max3A_121 = arith.xori %reduce_max3A_120, %reduce_max3A_118 : vector<16xi32>
      %reduce_max3A_122 = vector.extract %reduce_max3A_121[15] : i32 from vector<16xi32>
      %add3A_123 = vector.broadcast %reduce_max3A_122 : i32 to vector<16xi32>
      %add3A_124 = arith.addi %broadcast_in_dim3A_99, %add3A_123 : vector<16xi32>
      %reduce_max3A_125 = arith.constant true
      %reduce_max3A_126 = vector.broadcast %reduce_max3A_125 : i1 to vector<16xi1>
      %reduce_max3A_127 = arith.constant -2147483648 : i32
      %reduce_max3A_128 = vector.broadcast %reduce_max3A_127 : i32 to vector<16xi32>
      %reduce_max3A_129 = arith.xori %scan3A_104#3, %reduce_max3A_128 : vector<16xi32>
      %reduce_max3A_130 = tpu.scan <max>, %reduce_max3A_129 masked %reduce_max3A_126 : vector<16xi32>, vector<16xi1> -> vector<16xi32>
      %reduce_max3A_131 = arith.xori %reduce_max3A_130, %reduce_max3A_128 : vector<16xi32>
      %reduce_max3A_132 = vector.extract %reduce_max3A_131[15] : i32 from vector<16xi32>
      %add3A_133 = vector.broadcast %reduce_max3A_132 : i32 to vector<16xi32>
      %add3A_134 = arith.addi %broadcast_in_dim3A_99, %add3A_133 : vector<16xi32>
      %sub3A_135 = arith.subi %broadcast_in_dim3A_96, %add3A_124 : vector<16xi32>
      %sub3A_136 = arith.subi %broadcast_in_dim3A_94, %sub3A_135 : vector<16xi32>
      %shift_left3A = arith.constant 24 : i32
      %shift_left3A_137 = vector.broadcast %shift_left3A : i32 to vector<16xi32>
      %shift_left3A_138 = arith.shli %add3A_114, %shift_left3A_137 : vector<16xi32>
      %or3A = arith.ori %broadcast_in_dim3A_92, %shift_left3A_138 : vector<16xi32>
      %scan3A_139 = arith.constant 0 : i32
      %scan3A_140 = arith.constant 16 : i32
      %scan3A_141 = arith.addi %scan3A_139, %scan3A_140 : i32
      %scan3A_142 = arith.constant 1 : i32
      scf.for %scan3A_322 = %scan3A_139 to %scan3A_141 step %scan3A_142  : i32 {
        %mul3A_323 = arith.constant 64 : i32
        %mul3A_324 = arith.muli %scan3A_322, %mul3A_323 : i32
        %add3A_325 = arith.constant 0 : i32
        %add3A_326 = arith.addi %add3A_325, %mul3A_324 : i32
        %add3A_327 = arith.constant 0 : i32
        %add3A_328 = arith.addi %add3A_326, %add3A_327 : i32
        %swap3A = arith.index_cast %add3A_328 : i32 to index
        %swap3A_329 = tpu.vector_load %arg7[%swap3A] {strides = array<i32>} : memref<1024xi32, #tpu.memory_space<vmem>>, vector<16xi32>,
        tpu.vector_store %arg7[%swap3A], %broadcast_in_dim3A_73 {strides = array<i32>} : memref<1024xi32, #tpu.memory_space<vmem>>, vector<16xi32>,
        %add3A_330 = arith.constant 16 : i32
        %add3A_331 = arith.addi %add3A_326, %add3A_330 : i32
        %swap3A_332 = arith.index_cast %add3A_331 : i32 to index
        %swap3A_333 = tpu.vector_load %arg7[%swap3A_332] {strides = array<i32>} : memref<1024xi32, #tpu.memory_space<vmem>>, vector<16xi32>,
        tpu.vector_store %arg7[%swap3A_332], %broadcast_in_dim3A_73 {strides = array<i32>} : memref<1024xi32, #tpu.memory_space<vmem>>, vector<16xi32>,
        %add3A_334 = arith.constant 32 : i32
        %add3A_335 = arith.addi %add3A_326, %add3A_334 : i32
        %swap3A_336 = arith.index_cast %add3A_335 : i32 to index
        %swap3A_337 = tpu.vector_load %arg7[%swap3A_336] {strides = array<i32>} : memref<1024xi32, #tpu.memory_space<vmem>>, vector<16xi32>,
        tpu.vector_store %arg7[%swap3A_336], %broadcast_in_dim3A_73 {strides = array<i32>} : memref<1024xi32, #tpu.memory_space<vmem>>, vector<16xi32>,
        %add3A_338 = arith.constant 48 : i32
        %add3A_339 = arith.addi %add3A_326, %add3A_338 : i32
        %swap3A_340 = arith.index_cast %add3A_339 : i32 to index
        %swap3A_341 = tpu.vector_load %arg7[%swap3A_340] {strides = array<i32>} : memref<1024xi32, #tpu.memory_space<vmem>>, vector<16xi32>,
        tpu.vector_store %arg7[%swap3A_340], %broadcast_in_dim3A_73 {strides = array<i32>} : memref<1024xi32, #tpu.memory_space<vmem>>, vector<16xi32>,
      }
      %scan3A_143 = arith.constant 16 : i32
      %scan3A_144 = arith.constant -16777216 : i32
      %scan3A_145 = arith.constant 0 : i32
      %scan3A_146 = arith.constant 64 : i32
      %scan3A_147 = arith.addi %scan3A_145, %scan3A_146 : i32
      %scan3A_148 = arith.constant 1 : i32
      scf.for %scan3A_322 = %scan3A_145 to %scan3A_147 step %scan3A_148  : i32 {
        %mul3A_323 = arith.constant 64 : i32
        %mul3A_324 = arith.muli %scan3A_322, %mul3A_323 : i32
        %add3A_325 = arith.constant 0 : i32
        %add3A_326 = arith.addi %add3A_325, %mul3A_324 : i32
        %add3A_327 = arith.constant 0 : i32
        %add3A_328 = arith.addi %add3A_326, %add3A_327 : i32
        %get3A = arith.index_cast %add3A_328 : i32 to index
        %get3A_329 = tpu.vector_load %arg6[%get3A] {strides = array<i32>} : memref<4096xi32, #tpu.memory_space<vmem>>, vector<16xi32>,
        %xor3A_330 = arith.xori %get3A_329, %or3A : vector<16xi32>
        %and3A_331 = vector.broadcast %scan3A_144 : i32 to vector<16xi32>
        %and3A_332 = arith.andi %xor3A_330, %and3A_331 : vector<16xi32>
        %eq3A_333 = arith.constant 0 : i32
        %eq3A_334 = vector.broadcast %eq3A_333 : i32 to vector<16xi32>
        %eq3A_335 = arith.cmpi eq, %and3A_332, %eq3A_334 : vector<16xi32>
        %shift_right_logical3A = arith.constant 16 : i32
        %shift_right_logical3A_336 = vector.broadcast %shift_right_logical3A : i32 to vector<16xi32>
        %shift_right_logical3A_337 = arith.shrui %get3A_329, %shift_right_logical3A_336 : vector<16xi32>
        %and3A_338 = arith.constant 255 : i32
        %and3A_339 = vector.broadcast %and3A_338 : i32 to vector<16xi32>
        %and3A_340 = arith.andi %shift_right_logical3A_337, %and3A_339 : vector<16xi32>
        %add3A_341 = arith.constant 0 : i32
        %add3A_342 = vector.broadcast %add3A_341 : i32 to vector<16xi32>
        %add3A_343 = arith.addi %and3A_340, %add3A_342 : vector<16xi32>
        tpu.vector_store_idx %arg7[%add3A_343], %broadcast_in_dim3A_71 masked %eq3A_335 {add = true} : memref<1024xi32, #tpu.memory_space<vmem>>[vector<16xi32>], vector<16xi32>, vector<16xi1>
        %add3A_344 = arith.constant 16 : i32
        %add3A_345 = arith.addi %add3A_326, %add3A_344 : i32
        %get3A_346 = arith.index_cast %add3A_345 : i32 to index
        %get3A_347 = tpu.vector_load %arg6[%get3A_346] {strides = array<i32>} : memref<4096xi32, #tpu.memory_space<vmem>>, vector<16xi32>,
        %xor3A_348 = arith.xori %get3A_347, %or3A : vector<16xi32>
        %and3A_349 = vector.broadcast %scan3A_144 : i32 to vector<16xi32>
        %and3A_350 = arith.andi %xor3A_348, %and3A_349 : vector<16xi32>
        %eq3A_351 = arith.constant 0 : i32
        %eq3A_352 = vector.broadcast %eq3A_351 : i32 to vector<16xi32>
        %eq3A_353 = arith.cmpi eq, %and3A_350, %eq3A_352 : vector<16xi32>
        %shift_right_logical3A_354 = arith.constant 16 : i32
        %shift_right_logical3A_355 = vector.broadcast %shift_right_logical3A_354 : i32 to vector<16xi32>
        %shift_right_logical3A_356 = arith.shrui %get3A_347, %shift_right_logical3A_355 : vector<16xi32>
        %and3A_357 = arith.constant 255 : i32
        %and3A_358 = vector.broadcast %and3A_357 : i32 to vector<16xi32>
        %and3A_359 = arith.andi %shift_right_logical3A_356, %and3A_358 : vector<16xi32>
        %add3A_360 = arith.constant 256 : i32
        %add3A_361 = vector.broadcast %add3A_360 : i32 to vector<16xi32>
        %add3A_362 = arith.addi %and3A_359, %add3A_361 : vector<16xi32>
        tpu.vector_store_idx %arg7[%add3A_362], %broadcast_in_dim3A_71 masked %eq3A_353 {add = true} : memref<1024xi32, #tpu.memory_space<vmem>>[vector<16xi32>], vector<16xi32>, vector<16xi1>
        %add3A_363 = arith.constant 32 : i32
        %add3A_364 = arith.addi %add3A_326, %add3A_363 : i32
        %get3A_365 = arith.index_cast %add3A_364 : i32 to index
        %get3A_366 = tpu.vector_load %arg6[%get3A_365] {strides = array<i32>} : memref<4096xi32, #tpu.memory_space<vmem>>, vector<16xi32>,
        %xor3A_367 = arith.xori %get3A_366, %or3A : vector<16xi32>
        %and3A_368 = vector.broadcast %scan3A_144 : i32 to vector<16xi32>
        %and3A_369 = arith.andi %xor3A_367, %and3A_368 : vector<16xi32>
        %eq3A_370 = arith.constant 0 : i32
        %eq3A_371 = vector.broadcast %eq3A_370 : i32 to vector<16xi32>
        %eq3A_372 = arith.cmpi eq, %and3A_369, %eq3A_371 : vector<16xi32>
        %shift_right_logical3A_373 = arith.constant 16 : i32
        %shift_right_logical3A_374 = vector.broadcast %shift_right_logical3A_373 : i32 to vector<16xi32>
        %shift_right_logical3A_375 = arith.shrui %get3A_366, %shift_right_logical3A_374 : vector<16xi32>
        %and3A_376 = arith.constant 255 : i32
        %and3A_377 = vector.broadcast %and3A_376 : i32 to vector<16xi32>
        %and3A_378 = arith.andi %shift_right_logical3A_375, %and3A_377 : vector<16xi32>
        %add3A_379 = arith.constant 512 : i32
        %add3A_380 = vector.broadcast %add3A_379 : i32 to vector<16xi32>
        %add3A_381 = arith.addi %and3A_378, %add3A_380 : vector<16xi32>
        tpu.vector_store_idx %arg7[%add3A_381], %broadcast_in_dim3A_71 masked %eq3A_372 {add = true} : memref<1024xi32, #tpu.memory_space<vmem>>[vector<16xi32>], vector<16xi32>, vector<16xi1>
        %add3A_382 = arith.constant 48 : i32
        %add3A_383 = arith.addi %add3A_326, %add3A_382 : i32
        %get3A_384 = arith.index_cast %add3A_383 : i32 to index
        %get3A_385 = tpu.vector_load %arg6[%get3A_384] {strides = array<i32>} : memref<4096xi32, #tpu.memory_space<vmem>>, vector<16xi32>,
        %xor3A_386 = arith.xori %get3A_385, %or3A : vector<16xi32>
        %and3A_387 = vector.broadcast %scan3A_144 : i32 to vector<16xi32>
        %and3A_388 = arith.andi %xor3A_386, %and3A_387 : vector<16xi32>
        %eq3A_389 = arith.constant 0 : i32
        %eq3A_390 = vector.broadcast %eq3A_389 : i32 to vector<16xi32>
        %eq3A_391 = arith.cmpi eq, %and3A_388, %eq3A_390 : vector<16xi32>
        %shift_right_logical3A_392 = arith.constant 16 : i32
        %shift_right_logical3A_393 = vector.broadcast %shift_right_logical3A_392 : i32 to vector<16xi32>
        %shift_right_logical3A_394 = arith.shrui %get3A_385, %shift_right_logical3A_393 : vector<16xi32>
        %and3A_395 = arith.constant 255 : i32
        %and3A_396 = vector.broadcast %and3A_395 : i32 to vector<16xi32>
        %and3A_397 = arith.andi %shift_right_logical3A_394, %and3A_396 : vector<16xi32>
        %add3A_398 = arith.constant 768 : i32
        %add3A_399 = vector.broadcast %add3A_398 : i32 to vector<16xi32>
        %add3A_400 = arith.addi %and3A_397, %add3A_399 : vector<16xi32>
        tpu.vector_store_idx %arg7[%add3A_400], %broadcast_in_dim3A_71 masked %eq3A_391 {add = true} : memref<1024xi32, #tpu.memory_space<vmem>>[vector<16xi32>], vector<16xi32>, vector<16xi1>
      }
      %scan3A_149 = arith.constant 64 : i32
      %sub3A_150 = arith.subi %add3A_134, %sub3A_136 : vector<16xi32>
      %broadcast_in_dim3A_151 = arith.constant 0 : i32
      %broadcast_in_dim3A_152 = vector.broadcast %broadcast_in_dim3A_151 : i32 to vector<16xi32>
      %scan3A_153 = arith.constant 0 : i32
      %scan3A_154 = arith.constant 16 : i32
      %scan3A_155 = arith.addi %scan3A_153, %scan3A_154 : i32
      %scan3A_156 = arith.constant 1 : i32
      %scan3A_157:4 = scf.for %scan3A_322 = %scan3A_153 to %scan3A_155 step %scan3A_156 iter_args(%scan3A_323 = %broadcast_in_dim3A_152, %scan3A_324 = %broadcast_in_dim3A_152, %scan3A_325 = %broadcast_in_dim3A_152, %scan3A_326 = %broadcast_in_dim3A_152) -> (vector<16xi32>, vector<16xi32>, vector<16xi32>, vector<16xi32>)  : i32 {
        %mul3A_327 = arith.constant 16 : i32
        %mul3A_328 = arith.muli %mul3A_327, %scan3A_322 : i32
        %get3A = arith.index_cast %mul3A_328 : i32 to index
        %get3A_329 = tpu.vector_load %arg7[%get3A] {strides = array<i32>} : memref<1024xi32, #tpu.memory_space<vmem>>, vector<16xi32>,
        %mul3A_330 = arith.constant 16 : i32
        %mul3A_331 = arith.muli %mul3A_330, %scan3A_322 : i32
        %add3A_332 = arith.constant 256 : i32
        %add3A_333 = arith.addi %add3A_332, %mul3A_331 : i32
        %get3A_334 = arith.index_cast %add3A_333 : i32 to index
        %get3A_335 = tpu.vector_load %arg7[%get3A_334] {strides = array<i32>} : memref<1024xi32, #tpu.memory_space<vmem>>, vector<16xi32>,
        %add3A_336 = arith.addi %get3A_329, %get3A_335 : vector<16xi32>
        %mul3A_337 = arith.constant 16 : i32
        %mul3A_338 = arith.muli %mul3A_337, %scan3A_322 : i32
        %add3A_339 = arith.constant 512 : i32
        %add3A_340 = arith.addi %add3A_339, %mul3A_338 : i32
        %get3A_341 = arith.index_cast %add3A_340 : i32 to index
        %get3A_342 = tpu.vector_load %arg7[%get3A_341] {strides = array<i32>} : memref<1024xi32, #tpu.memory_space<vmem>>, vector<16xi32>,
        %add3A_343 = arith.addi %add3A_336, %get3A_342 : vector<16xi32>
        %mul3A_344 = arith.constant 16 : i32
        %mul3A_345 = arith.muli %mul3A_344, %scan3A_322 : i32
        %add3A_346 = arith.constant 768 : i32
        %add3A_347 = arith.addi %add3A_346, %mul3A_345 : i32
        %get3A_348 = arith.index_cast %add3A_347 : i32 to index
        %get3A_349 = tpu.vector_load %arg7[%get3A_348] {strides = array<i32>} : memref<1024xi32, #tpu.memory_space<vmem>>, vector<16xi32>,
        %add3A_350 = arith.addi %add3A_343, %get3A_349 : vector<16xi32>
        %broadcast_in_dim3A_351 = arith.constant true
        %broadcast_in_dim3A_352 = vector.broadcast %broadcast_in_dim3A_351 : i1 to vector<16xi1>
        %masked_cumsum3A = tpu.scan <sum>, %add3A_350 masked %broadcast_in_dim3A_352 : vector<16xi32>, vector<16xi1> -> vector<16xi32>
        %add3A_353 = arith.addi %masked_cumsum3A, %scan3A_323 : vector<16xi32>
        %gt3A = arith.cmpi sgt, %add3A_353, %sub3A_150 : vector<16xi32>
        %sub3A_354 = arith.subi %add3A_353, %add3A_350 : vector<16xi32>
        %le3A = arith.cmpi sle, %sub3A_354, %sub3A_150 : vector<16xi32>
        %and3A_355 = arith.andi %gt3A, %le3A : vector<16xi1>
        %mul3A_356 = arith.constant 16 : i32
        %mul3A_357 = arith.muli %mul3A_356, %scan3A_322 : i32
        %add3A_358 = vector.broadcast %mul3A_357 : i32 to vector<16xi32>
        %add3A_359 = arith.addi %add3A_358, %iota3A : vector<16xi32>
        %jit3A_360 = arith.constant 0 : i32
        %broadcast_in_dim3A_361 = vector.broadcast %jit3A_360 : i32 to vector<16xi32>
        %select_n3A_362 = arith.select %and3A_355, %add3A_359, %broadcast_in_dim3A_361 : vector<16xi1>, vector<16xi32>
        %add3A_363 = arith.addi %scan3A_324, %select_n3A_362 : vector<16xi32>
        %jit3A_364 = arith.constant 0 : i32
        %broadcast_in_dim3A_365 = vector.broadcast %jit3A_364 : i32 to vector<16xi32>
        %select_n3A_366 = arith.select %and3A_355, %add3A_353, %broadcast_in_dim3A_365 : vector<16xi1>, vector<16xi32>
        %add3A_367 = arith.addi %scan3A_325, %select_n3A_366 : vector<16xi32>
        %jit3A_368 = arith.constant 0 : i32
        %broadcast_in_dim3A_369 = vector.broadcast %jit3A_368 : i32 to vector<16xi32>
        %select_n3A_370 = arith.select %and3A_355, %add3A_350, %broadcast_in_dim3A_369 : vector<16xi1>, vector<16xi32>
        %add3A_371 = arith.addi %scan3A_326, %select_n3A_370 : vector<16xi32>
        %broadcast_in_dim3A_372 = arith.constant 0 : i32
        %broadcast_in_dim3A_373 = vector.broadcast %broadcast_in_dim3A_372 : i32 to vector<16xi32>
        %reduce_max3A_374 = arith.constant true
        %reduce_max3A_375 = vector.broadcast %reduce_max3A_374 : i1 to vector<16xi1>
        %reduce_max3A_376 = arith.constant -2147483648 : i32
        %reduce_max3A_377 = vector.broadcast %reduce_max3A_376 : i32 to vector<16xi32>
        %reduce_max3A_378 = arith.xori %add3A_353, %reduce_max3A_377 : vector<16xi32>
        %reduce_max3A_379 = tpu.scan <max>, %reduce_max3A_378 masked %reduce_max3A_375 : vector<16xi32>, vector<16xi1> -> vector<16xi32>
        %reduce_max3A_380 = arith.xori %reduce_max3A_379, %reduce_max3A_377 : vector<16xi32>
        %reduce_max3A_381 = vector.extract %reduce_max3A_380[15] : i32 from vector<16xi32>
        %add3A_382 = vector.broadcast %reduce_max3A_381 : i32 to vector<16xi32>
        %add3A_383 = arith.addi %broadcast_in_dim3A_373, %add3A_382 : vector<16xi32>
        scf.yield %add3A_383, %add3A_363, %add3A_367, %add3A_371 : vector<16xi32>, vector<16xi32>, vector<16xi32>, vector<16xi32>
      }
      %scan3A_158 = arith.constant 16 : i32
      %reduce_max3A_159 = arith.constant true
      %reduce_max3A_160 = vector.broadcast %reduce_max3A_159 : i1 to vector<16xi1>
      %reduce_max3A_161 = arith.constant -2147483648 : i32
      %reduce_max3A_162 = vector.broadcast %reduce_max3A_161 : i32 to vector<16xi32>
      %reduce_max3A_163 = arith.xori %scan3A_157#1, %reduce_max3A_162 : vector<16xi32>
      %reduce_max3A_164 = tpu.scan <max>, %reduce_max3A_163 masked %reduce_max3A_160 : vector<16xi32>, vector<16xi1> -> vector<16xi32>
      %reduce_max3A_165 = arith.xori %reduce_max3A_164, %reduce_max3A_162 : vector<16xi32>
      %reduce_max3A_166 = vector.extract %reduce_max3A_165[15] : i32 from vector<16xi32>
      %add3A_167 = vector.broadcast %reduce_max3A_166 : i32 to vector<16xi32>
      %add3A_168 = arith.addi %broadcast_in_dim3A_152, %add3A_167 : vector<16xi32>
      %reduce_max3A_169 = arith.constant true
      %reduce_max3A_170 = vector.broadcast %reduce_max3A_169 : i1 to vector<16xi1>
      %reduce_max3A_171 = arith.constant -2147483648 : i32
      %reduce_max3A_172 = vector.broadcast %reduce_max3A_171 : i32 to vector<16xi32>
      %reduce_max3A_173 = arith.xori %scan3A_157#2, %reduce_max3A_172 : vector<16xi32>
      %reduce_max3A_174 = tpu.scan <max>, %reduce_max3A_173 masked %reduce_max3A_170 : vector<16xi32>, vector<16xi1> -> vector<16xi32>
      %reduce_max3A_175 = arith.xori %reduce_max3A_174, %reduce_max3A_172 : vector<16xi32>
      %reduce_max3A_176 = vector.extract %reduce_max3A_175[15] : i32 from vector<16xi32>
      %add3A_177 = vector.broadcast %reduce_max3A_176 : i32 to vector<16xi32>
      %add3A_178 = arith.addi %broadcast_in_dim3A_152, %add3A_177 : vector<16xi32>
      %reduce_max3A_179 = arith.constant true
      %reduce_max3A_180 = vector.broadcast %reduce_max3A_179 : i1 to vector<16xi1>
      %reduce_max3A_181 = arith.constant -2147483648 : i32
      %reduce_max3A_182 = vector.broadcast %reduce_max3A_181 : i32 to vector<16xi32>
      %reduce_max3A_183 = arith.xori %scan3A_157#3, %reduce_max3A_182 : vector<16xi32>
      %reduce_max3A_184 = tpu.scan <max>, %reduce_max3A_183 masked %reduce_max3A_180 : vector<16xi32>, vector<16xi1> -> vector<16xi32>
      %reduce_max3A_185 = arith.xori %reduce_max3A_184, %reduce_max3A_182 : vector<16xi32>
      %reduce_max3A_186 = vector.extract %reduce_max3A_185[15] : i32 from vector<16xi32>
      %add3A_187 = vector.broadcast %reduce_max3A_186 : i32 to vector<16xi32>
      %add3A_188 = arith.addi %broadcast_in_dim3A_152, %add3A_187 : vector<16xi32>
      %sub3A_189 = arith.subi %add3A_134, %add3A_178 : vector<16xi32>
      %sub3A_190 = arith.subi %sub3A_136, %sub3A_189 : vector<16xi32>
      %shift_left3A_191 = arith.constant 16 : i32
      %shift_left3A_192 = vector.broadcast %shift_left3A_191 : i32 to vector<16xi32>
      %shift_left3A_193 = arith.shli %add3A_168, %shift_left3A_192 : vector<16xi32>
      %or3A_194 = arith.ori %or3A, %shift_left3A_193 : vector<16xi32>
      %scan3A_195 = arith.constant 0 : i32
      %scan3A_196 = arith.constant 16 : i32
      %scan3A_197 = arith.addi %scan3A_195, %scan3A_196 : i32
      %scan3A_198 = arith.constant 1 : i32
      scf.for %scan3A_322 = %scan3A_195 to %scan3A_197 step %scan3A_198  : i32 {
        %mul3A_323 = arith.constant 64 : i32
        %mul3A_324 = arith.muli %scan3A_322, %mul3A_323 : i32
        %add3A_325 = arith.constant 0 : i32
        %add3A_326 = arith.addi %add3A_325, %mul3A_324 : i32
        %add3A_327 = arith.constant 0 : i32
        %add3A_328 = arith.addi %add3A_326, %add3A_327 : i32
        %swap3A = arith.index_cast %add3A_328 : i32 to index
        %swap3A_329 = tpu.vector_load %arg7[%swap3A] {strides = array<i32>} : memref<1024xi32, #tpu.memory_space<vmem>>, vector<16xi32>,
        tpu.vector_store %arg7[%swap3A], %broadcast_in_dim3A_73 {strides = array<i32>} : memref<1024xi32, #tpu.memory_space<vmem>>, vector<16xi32>,
        %add3A_330 = arith.constant 16 : i32
        %add3A_331 = arith.addi %add3A_326, %add3A_330 : i32
        %swap3A_332 = arith.index_cast %add3A_331 : i32 to index
        %swap3A_333 = tpu.vector_load %arg7[%swap3A_332] {strides = array<i32>} : memref<1024xi32, #tpu.memory_space<vmem>>, vector<16xi32>,
        tpu.vector_store %arg7[%swap3A_332], %broadcast_in_dim3A_73 {strides = array<i32>} : memref<1024xi32, #tpu.memory_space<vmem>>, vector<16xi32>,
        %add3A_334 = arith.constant 32 : i32
        %add3A_335 = arith.addi %add3A_326, %add3A_334 : i32
        %swap3A_336 = arith.index_cast %add3A_335 : i32 to index
        %swap3A_337 = tpu.vector_load %arg7[%swap3A_336] {strides = array<i32>} : memref<1024xi32, #tpu.memory_space<vmem>>, vector<16xi32>,
        tpu.vector_store %arg7[%swap3A_336], %broadcast_in_dim3A_73 {strides = array<i32>} : memref<1024xi32, #tpu.memory_space<vmem>>, vector<16xi32>,
        %add3A_338 = arith.constant 48 : i32
        %add3A_339 = arith.addi %add3A_326, %add3A_338 : i32
        %swap3A_340 = arith.index_cast %add3A_339 : i32 to index
        %swap3A_341 = tpu.vector_load %arg7[%swap3A_340] {strides = array<i32>} : memref<1024xi32, #tpu.memory_space<vmem>>, vector<16xi32>,
        tpu.vector_store %arg7[%swap3A_340], %broadcast_in_dim3A_73 {strides = array<i32>} : memref<1024xi32, #tpu.memory_space<vmem>>, vector<16xi32>,
      }
      %scan3A_199 = arith.constant 16 : i32
      %scan3A_200 = arith.constant -65536 : i32
      %scan3A_201 = arith.constant 0 : i32
      %scan3A_202 = arith.constant 64 : i32
      %scan3A_203 = arith.addi %scan3A_201, %scan3A_202 : i32
      %scan3A_204 = arith.constant 1 : i32
      scf.for %scan3A_322 = %scan3A_201 to %scan3A_203 step %scan3A_204  : i32 {
        %mul3A_323 = arith.constant 64 : i32
        %mul3A_324 = arith.muli %scan3A_322, %mul3A_323 : i32
        %add3A_325 = arith.constant 0 : i32
        %add3A_326 = arith.addi %add3A_325, %mul3A_324 : i32
        %add3A_327 = arith.constant 0 : i32
        %add3A_328 = arith.addi %add3A_326, %add3A_327 : i32
        %get3A = arith.index_cast %add3A_328 : i32 to index
        %get3A_329 = tpu.vector_load %arg6[%get3A] {strides = array<i32>} : memref<4096xi32, #tpu.memory_space<vmem>>, vector<16xi32>,
        %xor3A_330 = arith.xori %get3A_329, %or3A_194 : vector<16xi32>
        %and3A_331 = vector.broadcast %scan3A_200 : i32 to vector<16xi32>
        %and3A_332 = arith.andi %xor3A_330, %and3A_331 : vector<16xi32>
        %eq3A_333 = arith.constant 0 : i32
        %eq3A_334 = vector.broadcast %eq3A_333 : i32 to vector<16xi32>
        %eq3A_335 = arith.cmpi eq, %and3A_332, %eq3A_334 : vector<16xi32>
        %shift_right_logical3A = arith.constant 8 : i32
        %shift_right_logical3A_336 = vector.broadcast %shift_right_logical3A : i32 to vector<16xi32>
        %shift_right_logical3A_337 = arith.shrui %get3A_329, %shift_right_logical3A_336 : vector<16xi32>
        %and3A_338 = arith.constant 255 : i32
        %and3A_339 = vector.broadcast %and3A_338 : i32 to vector<16xi32>
        %and3A_340 = arith.andi %shift_right_logical3A_337, %and3A_339 : vector<16xi32>
        %add3A_341 = arith.constant 0 : i32
        %add3A_342 = vector.broadcast %add3A_341 : i32 to vector<16xi32>
        %add3A_343 = arith.addi %and3A_340, %add3A_342 : vector<16xi32>
        tpu.vector_store_idx %arg7[%add3A_343], %broadcast_in_dim3A_71 masked %eq3A_335 {add = true} : memref<1024xi32, #tpu.memory_space<vmem>>[vector<16xi32>], vector<16xi32>, vector<16xi1>
        %add3A_344 = arith.constant 16 : i32
        %add3A_345 = arith.addi %add3A_326, %add3A_344 : i32
        %get3A_346 = arith.index_cast %add3A_345 : i32 to index
        %get3A_347 = tpu.vector_load %arg6[%get3A_346] {strides = array<i32>} : memref<4096xi32, #tpu.memory_space<vmem>>, vector<16xi32>,
        %xor3A_348 = arith.xori %get3A_347, %or3A_194 : vector<16xi32>
        %and3A_349 = vector.broadcast %scan3A_200 : i32 to vector<16xi32>
        %and3A_350 = arith.andi %xor3A_348, %and3A_349 : vector<16xi32>
        %eq3A_351 = arith.constant 0 : i32
        %eq3A_352 = vector.broadcast %eq3A_351 : i32 to vector<16xi32>
        %eq3A_353 = arith.cmpi eq, %and3A_350, %eq3A_352 : vector<16xi32>
        %shift_right_logical3A_354 = arith.constant 8 : i32
        %shift_right_logical3A_355 = vector.broadcast %shift_right_logical3A_354 : i32 to vector<16xi32>
        %shift_right_logical3A_356 = arith.shrui %get3A_347, %shift_right_logical3A_355 : vector<16xi32>
        %and3A_357 = arith.constant 255 : i32
        %and3A_358 = vector.broadcast %and3A_357 : i32 to vector<16xi32>
        %and3A_359 = arith.andi %shift_right_logical3A_356, %and3A_358 : vector<16xi32>
        %add3A_360 = arith.constant 256 : i32
        %add3A_361 = vector.broadcast %add3A_360 : i32 to vector<16xi32>
        %add3A_362 = arith.addi %and3A_359, %add3A_361 : vector<16xi32>
        tpu.vector_store_idx %arg7[%add3A_362], %broadcast_in_dim3A_71 masked %eq3A_353 {add = true} : memref<1024xi32, #tpu.memory_space<vmem>>[vector<16xi32>], vector<16xi32>, vector<16xi1>
        %add3A_363 = arith.constant 32 : i32
        %add3A_364 = arith.addi %add3A_326, %add3A_363 : i32
        %get3A_365 = arith.index_cast %add3A_364 : i32 to index
        %get3A_366 = tpu.vector_load %arg6[%get3A_365] {strides = array<i32>} : memref<4096xi32, #tpu.memory_space<vmem>>, vector<16xi32>,
        %xor3A_367 = arith.xori %get3A_366, %or3A_194 : vector<16xi32>
        %and3A_368 = vector.broadcast %scan3A_200 : i32 to vector<16xi32>
        %and3A_369 = arith.andi %xor3A_367, %and3A_368 : vector<16xi32>
        %eq3A_370 = arith.constant 0 : i32
        %eq3A_371 = vector.broadcast %eq3A_370 : i32 to vector<16xi32>
        %eq3A_372 = arith.cmpi eq, %and3A_369, %eq3A_371 : vector<16xi32>
        %shift_right_logical3A_373 = arith.constant 8 : i32
        %shift_right_logical3A_374 = vector.broadcast %shift_right_logical3A_373 : i32 to vector<16xi32>
        %shift_right_logical3A_375 = arith.shrui %get3A_366, %shift_right_logical3A_374 : vector<16xi32>
        %and3A_376 = arith.constant 255 : i32
        %and3A_377 = vector.broadcast %and3A_376 : i32 to vector<16xi32>
        %and3A_378 = arith.andi %shift_right_logical3A_375, %and3A_377 : vector<16xi32>
        %add3A_379 = arith.constant 512 : i32
        %add3A_380 = vector.broadcast %add3A_379 : i32 to vector<16xi32>
        %add3A_381 = arith.addi %and3A_378, %add3A_380 : vector<16xi32>
        tpu.vector_store_idx %arg7[%add3A_381], %broadcast_in_dim3A_71 masked %eq3A_372 {add = true} : memref<1024xi32, #tpu.memory_space<vmem>>[vector<16xi32>], vector<16xi32>, vector<16xi1>
        %add3A_382 = arith.constant 48 : i32
        %add3A_383 = arith.addi %add3A_326, %add3A_382 : i32
        %get3A_384 = arith.index_cast %add3A_383 : i32 to index
        %get3A_385 = tpu.vector_load %arg6[%get3A_384] {strides = array<i32>} : memref<4096xi32, #tpu.memory_space<vmem>>, vector<16xi32>,
        %xor3A_386 = arith.xori %get3A_385, %or3A_194 : vector<16xi32>
        %and3A_387 = vector.broadcast %scan3A_200 : i32 to vector<16xi32>
        %and3A_388 = arith.andi %xor3A_386, %and3A_387 : vector<16xi32>
        %eq3A_389 = arith.constant 0 : i32
        %eq3A_390 = vector.broadcast %eq3A_389 : i32 to vector<16xi32>
        %eq3A_391 = arith.cmpi eq, %and3A_388, %eq3A_390 : vector<16xi32>
        %shift_right_logical3A_392 = arith.constant 8 : i32
        %shift_right_logical3A_393 = vector.broadcast %shift_right_logical3A_392 : i32 to vector<16xi32>
        %shift_right_logical3A_394 = arith.shrui %get3A_385, %shift_right_logical3A_393 : vector<16xi32>
        %and3A_395 = arith.constant 255 : i32
        %and3A_396 = vector.broadcast %and3A_395 : i32 to vector<16xi32>
        %and3A_397 = arith.andi %shift_right_logical3A_394, %and3A_396 : vector<16xi32>
        %add3A_398 = arith.constant 768 : i32
        %add3A_399 = vector.broadcast %add3A_398 : i32 to vector<16xi32>
        %add3A_400 = arith.addi %and3A_397, %add3A_399 : vector<16xi32>
        tpu.vector_store_idx %arg7[%add3A_400], %broadcast_in_dim3A_71 masked %eq3A_391 {add = true} : memref<1024xi32, #tpu.memory_space<vmem>>[vector<16xi32>], vector<16xi32>, vector<16xi1>
      }
      %scan3A_205 = arith.constant 64 : i32
      %sub3A_206 = arith.subi %add3A_188, %sub3A_190 : vector<16xi32>
      %broadcast_in_dim3A_207 = arith.constant 0 : i32
      %broadcast_in_dim3A_208 = vector.broadcast %broadcast_in_dim3A_207 : i32 to vector<16xi32>
      %scan3A_209 = arith.constant 0 : i32
      %scan3A_210 = arith.constant 16 : i32
      %scan3A_211 = arith.addi %scan3A_209, %scan3A_210 : i32
      %scan3A_212 = arith.constant 1 : i32
      %scan3A_213:4 = scf.for %scan3A_322 = %scan3A_209 to %scan3A_211 step %scan3A_212 iter_args(%scan3A_323 = %broadcast_in_dim3A_208, %scan3A_324 = %broadcast_in_dim3A_208, %scan3A_325 = %broadcast_in_dim3A_208, %scan3A_326 = %broadcast_in_dim3A_208) -> (vector<16xi32>, vector<16xi32>, vector<16xi32>, vector<16xi32>)  : i32 {
        %mul3A_327 = arith.constant 16 : i32
        %mul3A_328 = arith.muli %mul3A_327, %scan3A_322 : i32
        %get3A = arith.index_cast %mul3A_328 : i32 to index
        %get3A_329 = tpu.vector_load %arg7[%get3A] {strides = array<i32>} : memref<1024xi32, #tpu.memory_space<vmem>>, vector<16xi32>,
        %mul3A_330 = arith.constant 16 : i32
        %mul3A_331 = arith.muli %mul3A_330, %scan3A_322 : i32
        %add3A_332 = arith.constant 256 : i32
        %add3A_333 = arith.addi %add3A_332, %mul3A_331 : i32
        %get3A_334 = arith.index_cast %add3A_333 : i32 to index
        %get3A_335 = tpu.vector_load %arg7[%get3A_334] {strides = array<i32>} : memref<1024xi32, #tpu.memory_space<vmem>>, vector<16xi32>,
        %add3A_336 = arith.addi %get3A_329, %get3A_335 : vector<16xi32>
        %mul3A_337 = arith.constant 16 : i32
        %mul3A_338 = arith.muli %mul3A_337, %scan3A_322 : i32
        %add3A_339 = arith.constant 512 : i32
        %add3A_340 = arith.addi %add3A_339, %mul3A_338 : i32
        %get3A_341 = arith.index_cast %add3A_340 : i32 to index
        %get3A_342 = tpu.vector_load %arg7[%get3A_341] {strides = array<i32>} : memref<1024xi32, #tpu.memory_space<vmem>>, vector<16xi32>,
        %add3A_343 = arith.addi %add3A_336, %get3A_342 : vector<16xi32>
        %mul3A_344 = arith.constant 16 : i32
        %mul3A_345 = arith.muli %mul3A_344, %scan3A_322 : i32
        %add3A_346 = arith.constant 768 : i32
        %add3A_347 = arith.addi %add3A_346, %mul3A_345 : i32
        %get3A_348 = arith.index_cast %add3A_347 : i32 to index
        %get3A_349 = tpu.vector_load %arg7[%get3A_348] {strides = array<i32>} : memref<1024xi32, #tpu.memory_space<vmem>>, vector<16xi32>,
        %add3A_350 = arith.addi %add3A_343, %get3A_349 : vector<16xi32>
        %broadcast_in_dim3A_351 = arith.constant true
        %broadcast_in_dim3A_352 = vector.broadcast %broadcast_in_dim3A_351 : i1 to vector<16xi1>
        %masked_cumsum3A = tpu.scan <sum>, %add3A_350 masked %broadcast_in_dim3A_352 : vector<16xi32>, vector<16xi1> -> vector<16xi32>
        %add3A_353 = arith.addi %masked_cumsum3A, %scan3A_323 : vector<16xi32>
        %gt3A = arith.cmpi sgt, %add3A_353, %sub3A_206 : vector<16xi32>
        %sub3A_354 = arith.subi %add3A_353, %add3A_350 : vector<16xi32>
        %le3A = arith.cmpi sle, %sub3A_354, %sub3A_206 : vector<16xi32>
        %and3A_355 = arith.andi %gt3A, %le3A : vector<16xi1>
        %mul3A_356 = arith.constant 16 : i32
        %mul3A_357 = arith.muli %mul3A_356, %scan3A_322 : i32
        %add3A_358 = vector.broadcast %mul3A_357 : i32 to vector<16xi32>
        %add3A_359 = arith.addi %add3A_358, %iota3A : vector<16xi32>
        %jit3A_360 = arith.constant 0 : i32
        %broadcast_in_dim3A_361 = vector.broadcast %jit3A_360 : i32 to vector<16xi32>
        %select_n3A_362 = arith.select %and3A_355, %add3A_359, %broadcast_in_dim3A_361 : vector<16xi1>, vector<16xi32>
        %add3A_363 = arith.addi %scan3A_324, %select_n3A_362 : vector<16xi32>
        %jit3A_364 = arith.constant 0 : i32
        %broadcast_in_dim3A_365 = vector.broadcast %jit3A_364 : i32 to vector<16xi32>
        %select_n3A_366 = arith.select %and3A_355, %add3A_353, %broadcast_in_dim3A_365 : vector<16xi1>, vector<16xi32>
        %add3A_367 = arith.addi %scan3A_325, %select_n3A_366 : vector<16xi32>
        %jit3A_368 = arith.constant 0 : i32
        %broadcast_in_dim3A_369 = vector.broadcast %jit3A_368 : i32 to vector<16xi32>
        %select_n3A_370 = arith.select %and3A_355, %add3A_350, %broadcast_in_dim3A_369 : vector<16xi1>, vector<16xi32>
        %add3A_371 = arith.addi %scan3A_326, %select_n3A_370 : vector<16xi32>
        %broadcast_in_dim3A_372 = arith.constant 0 : i32
        %broadcast_in_dim3A_373 = vector.broadcast %broadcast_in_dim3A_372 : i32 to vector<16xi32>
        %reduce_max3A_374 = arith.constant true
        %reduce_max3A_375 = vector.broadcast %reduce_max3A_374 : i1 to vector<16xi1>
        %reduce_max3A_376 = arith.constant -2147483648 : i32
        %reduce_max3A_377 = vector.broadcast %reduce_max3A_376 : i32 to vector<16xi32>
        %reduce_max3A_378 = arith.xori %add3A_353, %reduce_max3A_377 : vector<16xi32>
        %reduce_max3A_379 = tpu.scan <max>, %reduce_max3A_378 masked %reduce_max3A_375 : vector<16xi32>, vector<16xi1> -> vector<16xi32>
        %reduce_max3A_380 = arith.xori %reduce_max3A_379, %reduce_max3A_377 : vector<16xi32>
        %reduce_max3A_381 = vector.extract %reduce_max3A_380[15] : i32 from vector<16xi32>
        %add3A_382 = vector.broadcast %reduce_max3A_381 : i32 to vector<16xi32>
        %add3A_383 = arith.addi %broadcast_in_dim3A_373, %add3A_382 : vector<16xi32>
        scf.yield %add3A_383, %add3A_363, %add3A_367, %add3A_371 : vector<16xi32>, vector<16xi32>, vector<16xi32>, vector<16xi32>
      }
      %scan3A_214 = arith.constant 16 : i32
      %reduce_max3A_215 = arith.constant true
      %reduce_max3A_216 = vector.broadcast %reduce_max3A_215 : i1 to vector<16xi1>
      %reduce_max3A_217 = arith.constant -2147483648 : i32
      %reduce_max3A_218 = vector.broadcast %reduce_max3A_217 : i32 to vector<16xi32>
      %reduce_max3A_219 = arith.xori %scan3A_213#1, %reduce_max3A_218 : vector<16xi32>
      %reduce_max3A_220 = tpu.scan <max>, %reduce_max3A_219 masked %reduce_max3A_216 : vector<16xi32>, vector<16xi1> -> vector<16xi32>
      %reduce_max3A_221 = arith.xori %reduce_max3A_220, %reduce_max3A_218 : vector<16xi32>
      %reduce_max3A_222 = vector.extract %reduce_max3A_221[15] : i32 from vector<16xi32>
      %add3A_223 = vector.broadcast %reduce_max3A_222 : i32 to vector<16xi32>
      %add3A_224 = arith.addi %broadcast_in_dim3A_208, %add3A_223 : vector<16xi32>
      %reduce_max3A_225 = arith.constant true
      %reduce_max3A_226 = vector.broadcast %reduce_max3A_225 : i1 to vector<16xi1>
      %reduce_max3A_227 = arith.constant -2147483648 : i32
      %reduce_max3A_228 = vector.broadcast %reduce_max3A_227 : i32 to vector<16xi32>
      %reduce_max3A_229 = arith.xori %scan3A_213#2, %reduce_max3A_228 : vector<16xi32>
      %reduce_max3A_230 = tpu.scan <max>, %reduce_max3A_229 masked %reduce_max3A_226 : vector<16xi32>, vector<16xi1> -> vector<16xi32>
      %reduce_max3A_231 = arith.xori %reduce_max3A_230, %reduce_max3A_228 : vector<16xi32>
      %reduce_max3A_232 = vector.extract %reduce_max3A_231[15] : i32 from vector<16xi32>
      %add3A_233 = vector.broadcast %reduce_max3A_232 : i32 to vector<16xi32>
      %add3A_234 = arith.addi %broadcast_in_dim3A_208, %add3A_233 : vector<16xi32>
      %reduce_max3A_235 = arith.constant true
      %reduce_max3A_236 = vector.broadcast %reduce_max3A_235 : i1 to vector<16xi1>
      %reduce_max3A_237 = arith.constant -2147483648 : i32
      %reduce_max3A_238 = vector.broadcast %reduce_max3A_237 : i32 to vector<16xi32>
      %reduce_max3A_239 = arith.xori %scan3A_213#3, %reduce_max3A_238 : vector<16xi32>
      %reduce_max3A_240 = tpu.scan <max>, %reduce_max3A_239 masked %reduce_max3A_236 : vector<16xi32>, vector<16xi1> -> vector<16xi32>
      %reduce_max3A_241 = arith.xori %reduce_max3A_240, %reduce_max3A_238 : vector<16xi32>
      %reduce_max3A_242 = vector.extract %reduce_max3A_241[15] : i32 from vector<16xi32>
      %add3A_243 = vector.broadcast %reduce_max3A_242 : i32 to vector<16xi32>
      %add3A_244 = arith.addi %broadcast_in_dim3A_208, %add3A_243 : vector<16xi32>
      %sub3A_245 = arith.subi %add3A_188, %add3A_234 : vector<16xi32>
      %sub3A_246 = arith.subi %sub3A_190, %sub3A_245 : vector<16xi32>
      %shift_left3A_247 = arith.constant 8 : i32
      %shift_left3A_248 = vector.broadcast %shift_left3A_247 : i32 to vector<16xi32>
      %shift_left3A_249 = arith.shli %add3A_224, %shift_left3A_248 : vector<16xi32>
      %or3A_250 = arith.ori %or3A_194, %shift_left3A_249 : vector<16xi32>
      %scan3A_251 = arith.constant 0 : i32
      %scan3A_252 = arith.constant 16 : i32
      %scan3A_253 = arith.addi %scan3A_251, %scan3A_252 : i32
      %scan3A_254 = arith.constant 1 : i32
      scf.for %scan3A_322 = %scan3A_251 to %scan3A_253 step %scan3A_254  : i32 {
        %mul3A_323 = arith.constant 64 : i32
        %mul3A_324 = arith.muli %scan3A_322, %mul3A_323 : i32
        %add3A_325 = arith.constant 0 : i32
        %add3A_326 = arith.addi %add3A_325, %mul3A_324 : i32
        %add3A_327 = arith.constant 0 : i32
        %add3A_328 = arith.addi %add3A_326, %add3A_327 : i32
        %swap3A = arith.index_cast %add3A_328 : i32 to index
        %swap3A_329 = tpu.vector_load %arg7[%swap3A] {strides = array<i32>} : memref<1024xi32, #tpu.memory_space<vmem>>, vector<16xi32>,
        tpu.vector_store %arg7[%swap3A], %broadcast_in_dim3A_73 {strides = array<i32>} : memref<1024xi32, #tpu.memory_space<vmem>>, vector<16xi32>,
        %add3A_330 = arith.constant 16 : i32
        %add3A_331 = arith.addi %add3A_326, %add3A_330 : i32
        %swap3A_332 = arith.index_cast %add3A_331 : i32 to index
        %swap3A_333 = tpu.vector_load %arg7[%swap3A_332] {strides = array<i32>} : memref<1024xi32, #tpu.memory_space<vmem>>, vector<16xi32>,
        tpu.vector_store %arg7[%swap3A_332], %broadcast_in_dim3A_73 {strides = array<i32>} : memref<1024xi32, #tpu.memory_space<vmem>>, vector<16xi32>,
        %add3A_334 = arith.constant 32 : i32
        %add3A_335 = arith.addi %add3A_326, %add3A_334 : i32
        %swap3A_336 = arith.index_cast %add3A_335 : i32 to index
        %swap3A_337 = tpu.vector_load %arg7[%swap3A_336] {strides = array<i32>} : memref<1024xi32, #tpu.memory_space<vmem>>, vector<16xi32>,
        tpu.vector_store %arg7[%swap3A_336], %broadcast_in_dim3A_73 {strides = array<i32>} : memref<1024xi32, #tpu.memory_space<vmem>>, vector<16xi32>,
        %add3A_338 = arith.constant 48 : i32
        %add3A_339 = arith.addi %add3A_326, %add3A_338 : i32
        %swap3A_340 = arith.index_cast %add3A_339 : i32 to index
        %swap3A_341 = tpu.vector_load %arg7[%swap3A_340] {strides = array<i32>} : memref<1024xi32, #tpu.memory_space<vmem>>, vector<16xi32>,
        tpu.vector_store %arg7[%swap3A_340], %broadcast_in_dim3A_73 {strides = array<i32>} : memref<1024xi32, #tpu.memory_space<vmem>>, vector<16xi32>,
      }
      %scan3A_255 = arith.constant 16 : i32
      %scan3A_256 = arith.constant -256 : i32
      %scan3A_257 = arith.constant 0 : i32
      %scan3A_258 = arith.constant 64 : i32
      %scan3A_259 = arith.addi %scan3A_257, %scan3A_258 : i32
      %scan3A_260 = arith.constant 1 : i32
      scf.for %scan3A_322 = %scan3A_257 to %scan3A_259 step %scan3A_260  : i32 {
        %mul3A_323 = arith.constant 64 : i32
        %mul3A_324 = arith.muli %scan3A_322, %mul3A_323 : i32
        %add3A_325 = arith.constant 0 : i32
        %add3A_326 = arith.addi %add3A_325, %mul3A_324 : i32
        %add3A_327 = arith.constant 0 : i32
        %add3A_328 = arith.addi %add3A_326, %add3A_327 : i32
        %get3A = arith.index_cast %add3A_328 : i32 to index
        %get3A_329 = tpu.vector_load %arg6[%get3A] {strides = array<i32>} : memref<4096xi32, #tpu.memory_space<vmem>>, vector<16xi32>,
        %xor3A_330 = arith.xori %get3A_329, %or3A_250 : vector<16xi32>
        %and3A_331 = vector.broadcast %scan3A_256 : i32 to vector<16xi32>
        %and3A_332 = arith.andi %xor3A_330, %and3A_331 : vector<16xi32>
        %eq3A_333 = arith.constant 0 : i32
        %eq3A_334 = vector.broadcast %eq3A_333 : i32 to vector<16xi32>
        %eq3A_335 = arith.cmpi eq, %and3A_332, %eq3A_334 : vector<16xi32>
        %shift_right_logical3A = arith.constant 0 : i32
        %shift_right_logical3A_336 = vector.broadcast %shift_right_logical3A : i32 to vector<16xi32>
        %shift_right_logical3A_337 = arith.shrui %get3A_329, %shift_right_logical3A_336 : vector<16xi32>
        %and3A_338 = arith.constant 255 : i32
        %and3A_339 = vector.broadcast %and3A_338 : i32 to vector<16xi32>
        %and3A_340 = arith.andi %shift_right_logical3A_337, %and3A_339 : vector<16xi32>
        %add3A_341 = arith.constant 0 : i32
        %add3A_342 = vector.broadcast %add3A_341 : i32 to vector<16xi32>
        %add3A_343 = arith.addi %and3A_340, %add3A_342 : vector<16xi32>
        tpu.vector_store_idx %arg7[%add3A_343], %broadcast_in_dim3A_71 masked %eq3A_335 {add = true} : memref<1024xi32, #tpu.memory_space<vmem>>[vector<16xi32>], vector<16xi32>, vector<16xi1>
        %add3A_344 = arith.constant 16 : i32
        %add3A_345 = arith.addi %add3A_326, %add3A_344 : i32
        %get3A_346 = arith.index_cast %add3A_345 : i32 to index
        %get3A_347 = tpu.vector_load %arg6[%get3A_346] {strides = array<i32>} : memref<4096xi32, #tpu.memory_space<vmem>>, vector<16xi32>,
        %xor3A_348 = arith.xori %get3A_347, %or3A_250 : vector<16xi32>
        %and3A_349 = vector.broadcast %scan3A_256 : i32 to vector<16xi32>
        %and3A_350 = arith.andi %xor3A_348, %and3A_349 : vector<16xi32>
        %eq3A_351 = arith.constant 0 : i32
        %eq3A_352 = vector.broadcast %eq3A_351 : i32 to vector<16xi32>
        %eq3A_353 = arith.cmpi eq, %and3A_350, %eq3A_352 : vector<16xi32>
        %shift_right_logical3A_354 = arith.constant 0 : i32
        %shift_right_logical3A_355 = vector.broadcast %shift_right_logical3A_354 : i32 to vector<16xi32>
        %shift_right_logical3A_356 = arith.shrui %get3A_347, %shift_right_logical3A_355 : vector<16xi32>
        %and3A_357 = arith.constant 255 : i32
        %and3A_358 = vector.broadcast %and3A_357 : i32 to vector<16xi32>
        %and3A_359 = arith.andi %shift_right_logical3A_356, %and3A_358 : vector<16xi32>
        %add3A_360 = arith.constant 256 : i32
        %add3A_361 = vector.broadcast %add3A_360 : i32 to vector<16xi32>
        %add3A_362 = arith.addi %and3A_359, %add3A_361 : vector<16xi32>
        tpu.vector_store_idx %arg7[%add3A_362], %broadcast_in_dim3A_71 masked %eq3A_353 {add = true} : memref<1024xi32, #tpu.memory_space<vmem>>[vector<16xi32>], vector<16xi32>, vector<16xi1>
        %add3A_363 = arith.constant 32 : i32
        %add3A_364 = arith.addi %add3A_326, %add3A_363 : i32
        %get3A_365 = arith.index_cast %add3A_364 : i32 to index
        %get3A_366 = tpu.vector_load %arg6[%get3A_365] {strides = array<i32>} : memref<4096xi32, #tpu.memory_space<vmem>>, vector<16xi32>,
        %xor3A_367 = arith.xori %get3A_366, %or3A_250 : vector<16xi32>
        %and3A_368 = vector.broadcast %scan3A_256 : i32 to vector<16xi32>
        %and3A_369 = arith.andi %xor3A_367, %and3A_368 : vector<16xi32>
        %eq3A_370 = arith.constant 0 : i32
        %eq3A_371 = vector.broadcast %eq3A_370 : i32 to vector<16xi32>
        %eq3A_372 = arith.cmpi eq, %and3A_369, %eq3A_371 : vector<16xi32>
        %shift_right_logical3A_373 = arith.constant 0 : i32
        %shift_right_logical3A_374 = vector.broadcast %shift_right_logical3A_373 : i32 to vector<16xi32>
        %shift_right_logical3A_375 = arith.shrui %get3A_366, %shift_right_logical3A_374 : vector<16xi32>
        %and3A_376 = arith.constant 255 : i32
        %and3A_377 = vector.broadcast %and3A_376 : i32 to vector<16xi32>
        %and3A_378 = arith.andi %shift_right_logical3A_375, %and3A_377 : vector<16xi32>
        %add3A_379 = arith.constant 512 : i32
        %add3A_380 = vector.broadcast %add3A_379 : i32 to vector<16xi32>
        %add3A_381 = arith.addi %and3A_378, %add3A_380 : vector<16xi32>
        tpu.vector_store_idx %arg7[%add3A_381], %broadcast_in_dim3A_71 masked %eq3A_372 {add = true} : memref<1024xi32, #tpu.memory_space<vmem>>[vector<16xi32>], vector<16xi32>, vector<16xi1>
        %add3A_382 = arith.constant 48 : i32
        %add3A_383 = arith.addi %add3A_326, %add3A_382 : i32
        %get3A_384 = arith.index_cast %add3A_383 : i32 to index
        %get3A_385 = tpu.vector_load %arg6[%get3A_384] {strides = array<i32>} : memref<4096xi32, #tpu.memory_space<vmem>>, vector<16xi32>,
        %xor3A_386 = arith.xori %get3A_385, %or3A_250 : vector<16xi32>
        %and3A_387 = vector.broadcast %scan3A_256 : i32 to vector<16xi32>
        %and3A_388 = arith.andi %xor3A_386, %and3A_387 : vector<16xi32>
        %eq3A_389 = arith.constant 0 : i32
        %eq3A_390 = vector.broadcast %eq3A_389 : i32 to vector<16xi32>
        %eq3A_391 = arith.cmpi eq, %and3A_388, %eq3A_390 : vector<16xi32>
        %shift_right_logical3A_392 = arith.constant 0 : i32
        %shift_right_logical3A_393 = vector.broadcast %shift_right_logical3A_392 : i32 to vector<16xi32>
        %shift_right_logical3A_394 = arith.shrui %get3A_385, %shift_right_logical3A_393 : vector<16xi32>
        %and3A_395 = arith.constant 255 : i32
        %and3A_396 = vector.broadcast %and3A_395 : i32 to vector<16xi32>
        %and3A_397 = arith.andi %shift_right_logical3A_394, %and3A_396 : vector<16xi32>
        %add3A_398 = arith.constant 768 : i32
        %add3A_399 = vector.broadcast %add3A_398 : i32 to vector<16xi32>
        %add3A_400 = arith.addi %and3A_397, %add3A_399 : vector<16xi32>
        tpu.vector_store_idx %arg7[%add3A_400], %broadcast_in_dim3A_71 masked %eq3A_391 {add = true} : memref<1024xi32, #tpu.memory_space<vmem>>[vector<16xi32>], vector<16xi32>, vector<16xi1>
      }
      %scan3A_261 = arith.constant 64 : i32
      %sub3A_262 = arith.subi %add3A_244, %sub3A_246 : vector<16xi32>
      %broadcast_in_dim3A_263 = arith.constant 0 : i32
      %broadcast_in_dim3A_264 = vector.broadcast %broadcast_in_dim3A_263 : i32 to vector<16xi32>
      %scan3A_265 = arith.constant 0 : i32
      %scan3A_266 = arith.constant 16 : i32
      %scan3A_267 = arith.addi %scan3A_265, %scan3A_266 : i32
      %scan3A_268 = arith.constant 1 : i32
      %scan3A_269:4 = scf.for %scan3A_322 = %scan3A_265 to %scan3A_267 step %scan3A_268 iter_args(%scan3A_323 = %broadcast_in_dim3A_264, %scan3A_324 = %broadcast_in_dim3A_264, %scan3A_325 = %broadcast_in_dim3A_264, %scan3A_326 = %broadcast_in_dim3A_264) -> (vector<16xi32>, vector<16xi32>, vector<16xi32>, vector<16xi32>)  : i32 {
        %mul3A_327 = arith.constant 16 : i32
        %mul3A_328 = arith.muli %mul3A_327, %scan3A_322 : i32
        %get3A = arith.index_cast %mul3A_328 : i32 to index
        %get3A_329 = tpu.vector_load %arg7[%get3A] {strides = array<i32>} : memref<1024xi32, #tpu.memory_space<vmem>>, vector<16xi32>,
        %mul3A_330 = arith.constant 16 : i32
        %mul3A_331 = arith.muli %mul3A_330, %scan3A_322 : i32
        %add3A_332 = arith.constant 256 : i32
        %add3A_333 = arith.addi %add3A_332, %mul3A_331 : i32
        %get3A_334 = arith.index_cast %add3A_333 : i32 to index
        %get3A_335 = tpu.vector_load %arg7[%get3A_334] {strides = array<i32>} : memref<1024xi32, #tpu.memory_space<vmem>>, vector<16xi32>,
        %add3A_336 = arith.addi %get3A_329, %get3A_335 : vector<16xi32>
        %mul3A_337 = arith.constant 16 : i32
        %mul3A_338 = arith.muli %mul3A_337, %scan3A_322 : i32
        %add3A_339 = arith.constant 512 : i32
        %add3A_340 = arith.addi %add3A_339, %mul3A_338 : i32
        %get3A_341 = arith.index_cast %add3A_340 : i32 to index
        %get3A_342 = tpu.vector_load %arg7[%get3A_341] {strides = array<i32>} : memref<1024xi32, #tpu.memory_space<vmem>>, vector<16xi32>,
        %add3A_343 = arith.addi %add3A_336, %get3A_342 : vector<16xi32>
        %mul3A_344 = arith.constant 16 : i32
        %mul3A_345 = arith.muli %mul3A_344, %scan3A_322 : i32
        %add3A_346 = arith.constant 768 : i32
        %add3A_347 = arith.addi %add3A_346, %mul3A_345 : i32
        %get3A_348 = arith.index_cast %add3A_347 : i32 to index
        %get3A_349 = tpu.vector_load %arg7[%get3A_348] {strides = array<i32>} : memref<1024xi32, #tpu.memory_space<vmem>>, vector<16xi32>,
        %add3A_350 = arith.addi %add3A_343, %get3A_349 : vector<16xi32>
        %broadcast_in_dim3A_351 = arith.constant true
        %broadcast_in_dim3A_352 = vector.broadcast %broadcast_in_dim3A_351 : i1 to vector<16xi1>
        %masked_cumsum3A = tpu.scan <sum>, %add3A_350 masked %broadcast_in_dim3A_352 : vector<16xi32>, vector<16xi1> -> vector<16xi32>
        %add3A_353 = arith.addi %masked_cumsum3A, %scan3A_323 : vector<16xi32>
        %gt3A = arith.cmpi sgt, %add3A_353, %sub3A_262 : vector<16xi32>
        %sub3A_354 = arith.subi %add3A_353, %add3A_350 : vector<16xi32>
        %le3A = arith.cmpi sle, %sub3A_354, %sub3A_262 : vector<16xi32>
        %and3A_355 = arith.andi %gt3A, %le3A : vector<16xi1>
        %mul3A_356 = arith.constant 16 : i32
        %mul3A_357 = arith.muli %mul3A_356, %scan3A_322 : i32
        %add3A_358 = vector.broadcast %mul3A_357 : i32 to vector<16xi32>
        %add3A_359 = arith.addi %add3A_358, %iota3A : vector<16xi32>
        %jit3A_360 = arith.constant 0 : i32
        %broadcast_in_dim3A_361 = vector.broadcast %jit3A_360 : i32 to vector<16xi32>
        %select_n3A_362 = arith.select %and3A_355, %add3A_359, %broadcast_in_dim3A_361 : vector<16xi1>, vector<16xi32>
        %add3A_363 = arith.addi %scan3A_324, %select_n3A_362 : vector<16xi32>
        %jit3A_364 = arith.constant 0 : i32
        %broadcast_in_dim3A_365 = vector.broadcast %jit3A_364 : i32 to vector<16xi32>
        %select_n3A_366 = arith.select %and3A_355, %add3A_353, %broadcast_in_dim3A_365 : vector<16xi1>, vector<16xi32>
        %add3A_367 = arith.addi %scan3A_325, %select_n3A_366 : vector<16xi32>
        %jit3A_368 = arith.constant 0 : i32
        %broadcast_in_dim3A_369 = vector.broadcast %jit3A_368 : i32 to vector<16xi32>
        %select_n3A_370 = arith.select %and3A_355, %add3A_350, %broadcast_in_dim3A_369 : vector<16xi1>, vector<16xi32>
        %add3A_371 = arith.addi %scan3A_326, %select_n3A_370 : vector<16xi32>
        %broadcast_in_dim3A_372 = arith.constant 0 : i32
        %broadcast_in_dim3A_373 = vector.broadcast %broadcast_in_dim3A_372 : i32 to vector<16xi32>
        %reduce_max3A_374 = arith.constant true
        %reduce_max3A_375 = vector.broadcast %reduce_max3A_374 : i1 to vector<16xi1>
        %reduce_max3A_376 = arith.constant -2147483648 : i32
        %reduce_max3A_377 = vector.broadcast %reduce_max3A_376 : i32 to vector<16xi32>
        %reduce_max3A_378 = arith.xori %add3A_353, %reduce_max3A_377 : vector<16xi32>
        %reduce_max3A_379 = tpu.scan <max>, %reduce_max3A_378 masked %reduce_max3A_375 : vector<16xi32>, vector<16xi1> -> vector<16xi32>
        %reduce_max3A_380 = arith.xori %reduce_max3A_379, %reduce_max3A_377 : vector<16xi32>
        %reduce_max3A_381 = vector.extract %reduce_max3A_380[15] : i32 from vector<16xi32>
        %add3A_382 = vector.broadcast %reduce_max3A_381 : i32 to vector<16xi32>
        %add3A_383 = arith.addi %broadcast_in_dim3A_373, %add3A_382 : vector<16xi32>
        scf.yield %add3A_383, %add3A_363, %add3A_367, %add3A_371 : vector<16xi32>, vector<16xi32>, vector<16xi32>, vector<16xi32>
      }
      %scan3A_270 = arith.constant 16 : i32
      %reduce_max3A_271 = arith.constant true
      %reduce_max3A_272 = vector.broadcast %reduce_max3A_271 : i1 to vector<16xi1>
      %reduce_max3A_273 = arith.constant -2147483648 : i32
      %reduce_max3A_274 = vector.broadcast %reduce_max3A_273 : i32 to vector<16xi32>
      %reduce_max3A_275 = arith.xori %scan3A_269#1, %reduce_max3A_274 : vector<16xi32>
      %reduce_max3A_276 = tpu.scan <max>, %reduce_max3A_275 masked %reduce_max3A_272 : vector<16xi32>, vector<16xi1> -> vector<16xi32>
      %reduce_max3A_277 = arith.xori %reduce_max3A_276, %reduce_max3A_274 : vector<16xi32>
      %reduce_max3A_278 = vector.extract %reduce_max3A_277[15] : i32 from vector<16xi32>
      %add3A_279 = vector.broadcast %reduce_max3A_278 : i32 to vector<16xi32>
      %add3A_280 = arith.addi %broadcast_in_dim3A_264, %add3A_279 : vector<16xi32>
      %reduce_max3A_281 = arith.constant true
      %reduce_max3A_282 = vector.broadcast %reduce_max3A_281 : i1 to vector<16xi1>
      %reduce_max3A_283 = arith.constant -2147483648 : i32
      %reduce_max3A_284 = vector.broadcast %reduce_max3A_283 : i32 to vector<16xi32>
      %reduce_max3A_285 = arith.xori %scan3A_269#2, %reduce_max3A_284 : vector<16xi32>
      %reduce_max3A_286 = tpu.scan <max>, %reduce_max3A_285 masked %reduce_max3A_282 : vector<16xi32>, vector<16xi1> -> vector<16xi32>
      %reduce_max3A_287 = arith.xori %reduce_max3A_286, %reduce_max3A_284 : vector<16xi32>
      %reduce_max3A_288 = vector.extract %reduce_max3A_287[15] : i32 from vector<16xi32>
      %add3A_289 = vector.broadcast %reduce_max3A_288 : i32 to vector<16xi32>
      %add3A_290 = arith.addi %broadcast_in_dim3A_264, %add3A_289 : vector<16xi32>
      %reduce_max3A_291 = arith.constant true
      %reduce_max3A_292 = vector.broadcast %reduce_max3A_291 : i1 to vector<16xi1>
      %reduce_max3A_293 = arith.constant -2147483648 : i32
      %reduce_max3A_294 = vector.broadcast %reduce_max3A_293 : i32 to vector<16xi32>
      %reduce_max3A_295 = arith.xori %scan3A_269#3, %reduce_max3A_294 : vector<16xi32>
      %reduce_max3A_296 = tpu.scan <max>, %reduce_max3A_295 masked %reduce_max3A_292 : vector<16xi32>, vector<16xi1> -> vector<16xi32>
      %reduce_max3A_297 = arith.xori %reduce_max3A_296, %reduce_max3A_294 : vector<16xi32>
      %reduce_max3A_298 = vector.extract %reduce_max3A_297[15] : i32 from vector<16xi32>
      %add3A_299 = vector.broadcast %reduce_max3A_298 : i32 to vector<16xi32>
      %add3A_300 = arith.addi %broadcast_in_dim3A_264, %add3A_299 : vector<16xi32>
      %sub3A_301 = arith.subi %add3A_244, %add3A_290 : vector<16xi32>
      %sub3A_302 = arith.subi %sub3A_246, %sub3A_301 : vector<16xi32>
      %shift_left3A_303 = arith.constant 0 : i32
      %shift_left3A_304 = vector.broadcast %shift_left3A_303 : i32 to vector<16xi32>
      %shift_left3A_305 = arith.shli %add3A_280, %shift_left3A_304 : vector<16xi32>
      %or3A_306 = arith.ori %or3A_250, %shift_left3A_305 : vector<16xi32>
      %xor3A = arith.constant -2147483648 : i32
      %xor3A_307 = vector.broadcast %xor3A : i32 to vector<16xi32>
      %xor3A_308 = arith.xori %or3A_306, %xor3A_307 : vector<16xi32>
      %scan3A_309 = arith.constant 0 : i32
      %scan3A_310 = arith.constant 8 : i32
      %scan3A_311 = arith.addi %scan3A_309, %scan3A_310 : i32
      %scan3A_312 = arith.constant 1 : i32
      scf.for %scan3A_322 = %scan3A_309 to %scan3A_311 step %scan3A_312  : i32 {
        %mul3A_323 = arith.constant 16 : i32
        %mul3A_324 = arith.muli %scan3A_322, %mul3A_323 : i32
        %add3A_325 = arith.constant 0 : i32
        %add3A_326 = arith.addi %add3A_325, %mul3A_324 : i32
        %swap3A = arith.index_cast %add3A_326 : i32 to index
        %swap3A_327 = tpu.vector_load %arg8[%swap3A] {strides = array<i32>} : memref<128xi32, #tpu.memory_space<vmem>>, vector<16xi32>,
        tpu.vector_store %arg8[%swap3A], %broadcast_in_dim3A_73 {strides = array<i32>} : memref<128xi32, #tpu.memory_space<vmem>>, vector<16xi32>,
      }
      %scan3A_313 = arith.constant 8 : i32
      %broadcast_in_dim3A_314 = arith.constant 0 : i32
      %broadcast_in_dim3A_315 = vector.broadcast %broadcast_in_dim3A_314 : i32 to vector<16xi32>
      %scan3A_316 = arith.constant 0 : i32
      %scan3A_317 = arith.constant 64 : i32
      %scan3A_318 = arith.addi %scan3A_316, %scan3A_317 : i32
      %scan3A_319 = arith.constant 1 : i32
      %scan3A_320:2 = scf.for %scan3A_322 = %scan3A_316 to %scan3A_318 step %scan3A_319 iter_args(%scan3A_323 = %broadcast_in_dim3A_315, %scan3A_324 = %broadcast_in_dim3A_315) -> (vector<16xi32>, vector<16xi32>)  : i32 {
        %mul3A_325 = arith.constant 4096 : i32
        %mul3A_326 = arith.muli %select_n3A, %mul3A_325 : i32
        %mul3A_327 = arith.constant 64 : i32
        %mul3A_328 = arith.muli %mul3A_327, %scan3A_322 : i32
        %add3A_329 = arith.addi %mul3A_326, %mul3A_328 : i32
        %mul3A_330 = arith.constant 64 : i32
        %mul3A_331 = arith.muli %mul3A_330, %scan3A_322 : i32
        %add3A_332 = arith.constant 0 : i32
        %add3A_333 = arith.addi %mul3A_331, %add3A_332 : i32
        %get3A = arith.index_cast %add3A_333 : i32 to index
        %get3A_334 = tpu.vector_load %arg6[%get3A] {strides = array<i32>} : memref<4096xi32, #tpu.memory_space<vmem>>, vector<16xi32>,
        %xor3A_335 = arith.constant -2147483648 : i32
        %xor3A_336 = vector.broadcast %xor3A_335 : i32 to vector<16xi32>
        %xor3A_337 = arith.xori %get3A_334, %xor3A_336 : vector<16xi32>
        %gt3A = arith.cmpi sgt, %xor3A_337, %xor3A_308 : vector<16xi32>
        %eq3A_338 = arith.cmpi eq, %get3A_334, %or3A_306 : vector<16xi32>
        %convert_element_type3A_339 = arith.extui %eq3A_338 : vector<16xi1> to vector<16xi32>
        %broadcast_in_dim3A_340 = arith.constant true
        %broadcast_in_dim3A_341 = vector.broadcast %broadcast_in_dim3A_340 : i1 to vector<16xi1>
        %masked_cumsum3A = tpu.scan <sum>, %convert_element_type3A_339 masked %broadcast_in_dim3A_341 : vector<16xi32>, vector<16xi1> -> vector<16xi32>
        %add3A_342 = arith.addi %scan3A_324, %masked_cumsum3A : vector<16xi32>
        %le3A = arith.cmpi sle, %add3A_342, %sub3A_302 : vector<16xi32>
        %and3A_343 = arith.andi %eq3A_338, %le3A : vector<16xi1>
        %or3A_344 = arith.ori %gt3A, %and3A_343 : vector<16xi1>
        %convert_element_type3A_345 = arith.extui %or3A_344 : vector<16xi1> to vector<16xi32>
        %broadcast_in_dim3A_346 = arith.constant true
        %broadcast_in_dim3A_347 = vector.broadcast %broadcast_in_dim3A_346 : i1 to vector<16xi1>
        %masked_cumsum3A_348 = tpu.scan <sum>, %convert_element_type3A_345 masked %broadcast_in_dim3A_347 : vector<16xi32>, vector<16xi1> -> vector<16xi32>
        %add3A_349 = arith.constant 0 : i32
        %add3A_350 = arith.addi %add3A_329, %add3A_349 : i32
        %add3A_351 = vector.broadcast %add3A_350 : i32 to vector<16xi32>
        %add3A_352 = arith.addi %iota3A, %add3A_351 : vector<16xi32>
        %add3A_353 = arith.addi %scan3A_323, %masked_cumsum3A_348 : vector<16xi32>
        %sub3A_354 = arith.constant 1 : i32
        %sub3A_355 = vector.broadcast %sub3A_354 : i32 to vector<16xi32>
        %sub3A_356 = arith.subi %add3A_353, %sub3A_355 : vector<16xi32>
        %max3A = arith.constant 0 : i32
        %max3A_357 = vector.broadcast %max3A : i32 to vector<16xi32>
        %max3A_358 = arith.maxsi %sub3A_356, %max3A_357 : vector<16xi32>
        tpu.vector_store_idx %arg8[%max3A_358], %add3A_352 masked %or3A_344 : memref<128xi32, #tpu.memory_space<vmem>>[vector<16xi32>], vector<16xi32>, vector<16xi1>
        %all_reduce_population_count3A = tpu.all_reduce %or3A_344 {dim = 0 : i64, kind = #tpu.reduction_kind<sum>} : vector<16xi1> -> vector<16xi32>
        %add3A_359 = arith.addi %scan3A_323, %all_reduce_population_count3A : vector<16xi32>
        %all_reduce_population_count3A_360 = tpu.all_reduce %eq3A_338 {dim = 0 : i64, kind = #tpu.reduction_kind<sum>} : vector<16xi1> -> vector<16xi32>
        %add3A_361 = arith.addi %scan3A_324, %all_reduce_population_count3A_360 : vector<16xi32>
        %mul3A_362 = arith.constant 64 : i32
        %mul3A_363 = arith.muli %mul3A_362, %scan3A_322 : i32
        %add3A_364 = arith.constant 16 : i32
        %add3A_365 = arith.addi %mul3A_363, %add3A_364 : i32
        %get3A_366 = arith.index_cast %add3A_365 : i32 to index
        %get3A_367 = tpu.vector_load %arg6[%get3A_366] {strides = array<i32>} : memref<4096xi32, #tpu.memory_space<vmem>>, vector<16xi32>,
        %xor3A_368 = arith.constant -2147483648 : i32
        %xor3A_369 = vector.broadcast %xor3A_368 : i32 to vector<16xi32>
        %xor3A_370 = arith.xori %get3A_367, %xor3A_369 : vector<16xi32>
        %gt3A_371 = arith.cmpi sgt, %xor3A_370, %xor3A_308 : vector<16xi32>
        %eq3A_372 = arith.cmpi eq, %get3A_367, %or3A_306 : vector<16xi32>
        %convert_element_type3A_373 = arith.extui %eq3A_372 : vector<16xi1> to vector<16xi32>
        %broadcast_in_dim3A_374 = arith.constant true
        %broadcast_in_dim3A_375 = vector.broadcast %broadcast_in_dim3A_374 : i1 to vector<16xi1>
        %masked_cumsum3A_376 = tpu.scan <sum>, %convert_element_type3A_373 masked %broadcast_in_dim3A_375 : vector<16xi32>, vector<16xi1> -> vector<16xi32>
        %add3A_377 = arith.addi %add3A_361, %masked_cumsum3A_376 : vector<16xi32>
        %le3A_378 = arith.cmpi sle, %add3A_377, %sub3A_302 : vector<16xi32>
        %and3A_379 = arith.andi %eq3A_372, %le3A_378 : vector<16xi1>
        %or3A_380 = arith.ori %gt3A_371, %and3A_379 : vector<16xi1>
        %convert_element_type3A_381 = arith.extui %or3A_380 : vector<16xi1> to vector<16xi32>
        %broadcast_in_dim3A_382 = arith.constant true
        %broadcast_in_dim3A_383 = vector.broadcast %broadcast_in_dim3A_382 : i1 to vector<16xi1>
        %masked_cumsum3A_384 = tpu.scan <sum>, %convert_element_type3A_381 masked %broadcast_in_dim3A_383 : vector<16xi32>, vector<16xi1> -> vector<16xi32>
        %add3A_385 = arith.constant 16 : i32
        %add3A_386 = arith.addi %add3A_329, %add3A_385 : i32
        %add3A_387 = vector.broadcast %add3A_386 : i32 to vector<16xi32>
        %add3A_388 = arith.addi %iota3A, %add3A_387 : vector<16xi32>
        %add3A_389 = arith.addi %add3A_359, %masked_cumsum3A_384 : vector<16xi32>
        %sub3A_390 = arith.constant 1 : i32
        %sub3A_391 = vector.broadcast %sub3A_390 : i32 to vector<16xi32>
        %sub3A_392 = arith.subi %add3A_389, %sub3A_391 : vector<16xi32>
        %max3A_393 = arith.constant 0 : i32
        %max3A_394 = vector.broadcast %max3A_393 : i32 to vector<16xi32>
        %max3A_395 = arith.maxsi %sub3A_392, %max3A_394 : vector<16xi32>
        tpu.vector_store_idx %arg8[%max3A_395], %add3A_388 masked %or3A_380 : memref<128xi32, #tpu.memory_space<vmem>>[vector<16xi32>], vector<16xi32>, vector<16xi1>
        %all_reduce_population_count3A_396 = tpu.all_reduce %or3A_380 {dim = 0 : i64, kind = #tpu.reduction_kind<sum>} : vector<16xi1> -> vector<16xi32>
        %add3A_397 = arith.addi %add3A_359, %all_reduce_population_count3A_396 : vector<16xi32>
        %all_reduce_population_count3A_398 = tpu.all_reduce %eq3A_372 {dim = 0 : i64, kind = #tpu.reduction_kind<sum>} : vector<16xi1> -> vector<16xi32>
        %add3A_399 = arith.addi %add3A_361, %all_reduce_population_count3A_398 : vector<16xi32>
        %mul3A_400 = arith.constant 64 : i32
        %mul3A_401 = arith.muli %mul3A_400, %scan3A_322 : i32
        %add3A_402 = arith.constant 32 : i32
        %add3A_403 = arith.addi %mul3A_401, %add3A_402 : i32
        %get3A_404 = arith.index_cast %add3A_403 : i32 to index
        %get3A_405 = tpu.vector_load %arg6[%get3A_404] {strides = array<i32>} : memref<4096xi32, #tpu.memory_space<vmem>>, vector<16xi32>,
        %xor3A_406 = arith.constant -2147483648 : i32
        %xor3A_407 = vector.broadcast %xor3A_406 : i32 to vector<16xi32>
        %xor3A_408 = arith.xori %get3A_405, %xor3A_407 : vector<16xi32>
        %gt3A_409 = arith.cmpi sgt, %xor3A_408, %xor3A_308 : vector<16xi32>
        %eq3A_410 = arith.cmpi eq, %get3A_405, %or3A_306 : vector<16xi32>
        %convert_element_type3A_411 = arith.extui %eq3A_410 : vector<16xi1> to vector<16xi32>
        %broadcast_in_dim3A_412 = arith.constant true
        %broadcast_in_dim3A_413 = vector.broadcast %broadcast_in_dim3A_412 : i1 to vector<16xi1>
        %masked_cumsum3A_414 = tpu.scan <sum>, %convert_element_type3A_411 masked %broadcast_in_dim3A_413 : vector<16xi32>, vector<16xi1> -> vector<16xi32>
        %add3A_415 = arith.addi %add3A_399, %masked_cumsum3A_414 : vector<16xi32>
        %le3A_416 = arith.cmpi sle, %add3A_415, %sub3A_302 : vector<16xi32>
        %and3A_417 = arith.andi %eq3A_410, %le3A_416 : vector<16xi1>
        %or3A_418 = arith.ori %gt3A_409, %and3A_417 : vector<16xi1>
        %convert_element_type3A_419 = arith.extui %or3A_418 : vector<16xi1> to vector<16xi32>
        %broadcast_in_dim3A_420 = arith.constant true
        %broadcast_in_dim3A_421 = vector.broadcast %broadcast_in_dim3A_420 : i1 to vector<16xi1>
        %masked_cumsum3A_422 = tpu.scan <sum>, %convert_element_type3A_419 masked %broadcast_in_dim3A_421 : vector<16xi32>, vector<16xi1> -> vector<16xi32>
        %add3A_423 = arith.constant 32 : i32
        %add3A_424 = arith.addi %add3A_329, %add3A_423 : i32
        %add3A_425 = vector.broadcast %add3A_424 : i32 to vector<16xi32>
        %add3A_426 = arith.addi %iota3A, %add3A_425 : vector<16xi32>
        %add3A_427 = arith.addi %add3A_397, %masked_cumsum3A_422 : vector<16xi32>
        %sub3A_428 = arith.constant 1 : i32
        %sub3A_429 = vector.broadcast %sub3A_428 : i32 to vector<16xi32>
        %sub3A_430 = arith.subi %add3A_427, %sub3A_429 : vector<16xi32>
        %max3A_431 = arith.constant 0 : i32
        %max3A_432 = vector.broadcast %max3A_431 : i32 to vector<16xi32>
        %max3A_433 = arith.maxsi %sub3A_430, %max3A_432 : vector<16xi32>
        tpu.vector_store_idx %arg8[%max3A_433], %add3A_426 masked %or3A_418 : memref<128xi32, #tpu.memory_space<vmem>>[vector<16xi32>], vector<16xi32>, vector<16xi1>
        %all_reduce_population_count3A_434 = tpu.all_reduce %or3A_418 {dim = 0 : i64, kind = #tpu.reduction_kind<sum>} : vector<16xi1> -> vector<16xi32>
        %add3A_435 = arith.addi %add3A_397, %all_reduce_population_count3A_434 : vector<16xi32>
        %all_reduce_population_count3A_436 = tpu.all_reduce %eq3A_410 {dim = 0 : i64, kind = #tpu.reduction_kind<sum>} : vector<16xi1> -> vector<16xi32>
        %add3A_437 = arith.addi %add3A_399, %all_reduce_population_count3A_436 : vector<16xi32>
        %mul3A_438 = arith.constant 64 : i32
        %mul3A_439 = arith.muli %mul3A_438, %scan3A_322 : i32
        %add3A_440 = arith.constant 48 : i32
        %add3A_441 = arith.addi %mul3A_439, %add3A_440 : i32
        %get3A_442 = arith.index_cast %add3A_441 : i32 to index
        %get3A_443 = tpu.vector_load %arg6[%get3A_442] {strides = array<i32>} : memref<4096xi32, #tpu.memory_space<vmem>>, vector<16xi32>,
        %xor3A_444 = arith.constant -2147483648 : i32
        %xor3A_445 = vector.broadcast %xor3A_444 : i32 to vector<16xi32>
        %xor3A_446 = arith.xori %get3A_443, %xor3A_445 : vector<16xi32>
        %gt3A_447 = arith.cmpi sgt, %xor3A_446, %xor3A_308 : vector<16xi32>
        %eq3A_448 = arith.cmpi eq, %get3A_443, %or3A_306 : vector<16xi32>
        %convert_element_type3A_449 = arith.extui %eq3A_448 : vector<16xi1> to vector<16xi32>
        %broadcast_in_dim3A_450 = arith.constant true
        %broadcast_in_dim3A_451 = vector.broadcast %broadcast_in_dim3A_450 : i1 to vector<16xi1>
        %masked_cumsum3A_452 = tpu.scan <sum>, %convert_element_type3A_449 masked %broadcast_in_dim3A_451 : vector<16xi32>, vector<16xi1> -> vector<16xi32>
        %add3A_453 = arith.addi %add3A_437, %masked_cumsum3A_452 : vector<16xi32>
        %le3A_454 = arith.cmpi sle, %add3A_453, %sub3A_302 : vector<16xi32>
        %and3A_455 = arith.andi %eq3A_448, %le3A_454 : vector<16xi1>
        %or3A_456 = arith.ori %gt3A_447, %and3A_455 : vector<16xi1>
        %convert_element_type3A_457 = arith.extui %or3A_456 : vector<16xi1> to vector<16xi32>
        %broadcast_in_dim3A_458 = arith.constant true
        %broadcast_in_dim3A_459 = vector.broadcast %broadcast_in_dim3A_458 : i1 to vector<16xi1>
        %masked_cumsum3A_460 = tpu.scan <sum>, %convert_element_type3A_457 masked %broadcast_in_dim3A_459 : vector<16xi32>, vector<16xi1> -> vector<16xi32>
        %add3A_461 = arith.constant 48 : i32
        %add3A_462 = arith.addi %add3A_329, %add3A_461 : i32
        %add3A_463 = vector.broadcast %add3A_462 : i32 to vector<16xi32>
        %add3A_464 = arith.addi %iota3A, %add3A_463 : vector<16xi32>
        %add3A_465 = arith.addi %add3A_435, %masked_cumsum3A_460 : vector<16xi32>
        %sub3A_466 = arith.constant 1 : i32
        %sub3A_467 = vector.broadcast %sub3A_466 : i32 to vector<16xi32>
        %sub3A_468 = arith.subi %add3A_465, %sub3A_467 : vector<16xi32>
        %max3A_469 = arith.constant 0 : i32
        %max3A_470 = vector.broadcast %max3A_469 : i32 to vector<16xi32>
        %max3A_471 = arith.maxsi %sub3A_468, %max3A_470 : vector<16xi32>
        tpu.vector_store_idx %arg8[%max3A_471], %add3A_464 masked %or3A_456 : memref<128xi32, #tpu.memory_space<vmem>>[vector<16xi32>], vector<16xi32>, vector<16xi1>
        %all_reduce_population_count3A_472 = tpu.all_reduce %or3A_456 {dim = 0 : i64, kind = #tpu.reduction_kind<sum>} : vector<16xi1> -> vector<16xi32>
        %add3A_473 = arith.addi %add3A_435, %all_reduce_population_count3A_472 : vector<16xi32>
        %all_reduce_population_count3A_474 = tpu.all_reduce %eq3A_448 {dim = 0 : i64, kind = #tpu.reduction_kind<sum>} : vector<16xi1> -> vector<16xi32>
        %add3A_475 = arith.addi %add3A_437, %all_reduce_population_count3A_474 : vector<16xi32>
        scf.yield %add3A_473, %add3A_475 : vector<16xi32>, vector<16xi32>
      }
      %scan3A_321 = arith.constant 64 : i32
      "tpu.region"() ({
        %run_scoped3A = tpu.sem_alloc : memref<!tpu.dma_semaphore, #tpu.memory_space<semaphore_mem>>
        %dma_start3A = arith.constant 0 : i32
        %dma_start3A_322 = tpu.memref_slice %arg11[%select_n3A_70, %dma_start3A] : memref<2x128xi32, #tpu.memory_space<vmem_shared>> -> memref<1x128xi32, #tpu.memory_space<vmem_shared>>
        %dma_start3A_323 = tpu.memref_squeeze %dma_start3A_322 : memref<1x128xi32, #tpu.memory_space<vmem_shared>> -> memref<128xi32, #tpu.memory_space<vmem_shared>>
        %dma_start3A_324 = arith.constant 0 : i32
        %dma_start3A_325 = tpu.memref_slice %arg11[%select_n3A_70, %dma_start3A_324] : memref<2x128xi32, #tpu.memory_space<vmem_shared>> -> memref<1x128xi32, #tpu.memory_space<vmem_shared>>
        %dma_start3A_326 = tpu.memref_squeeze %dma_start3A_325 : memref<1x128xi32, #tpu.memory_space<vmem_shared>> -> memref<128xi32, #tpu.memory_space<vmem_shared>>
        tpu.enqueue_dma source(%arg8 : memref<128xi32, #tpu.memory_space<vmem>>) target(%dma_start3A_326 : memref<128xi32, #tpu.memory_space<vmem_shared>>) target_semaphore(%run_scoped3A : memref<!tpu.dma_semaphore, #tpu.memory_space<semaphore_mem>>)
        %dma_wait3A = arith.constant 0 : i32
        %dma_wait3A_327 = tpu.memref_slice %arg11[%select_n3A_70, %dma_wait3A] : memref<2x128xi32, #tpu.memory_space<vmem_shared>> -> memref<1x128xi32, #tpu.memory_space<vmem_shared>>
        %dma_wait3A_328 = tpu.memref_squeeze %dma_wait3A_327 : memref<1x128xi32, #tpu.memory_space<vmem_shared>> -> memref<128xi32, #tpu.memory_space<vmem_shared>>
        %dma_wait3A_329 = arith.constant 0 : i32
        %dma_wait3A_330 = tpu.memref_slice %arg11[%select_n3A_70, %dma_wait3A_329] : memref<2x128xi32, #tpu.memory_space<vmem_shared>> -> memref<1x128xi32, #tpu.memory_space<vmem_shared>>
        %dma_wait3A_331 = tpu.memref_squeeze %dma_wait3A_330 : memref<1x128xi32, #tpu.memory_space<vmem_shared>> -> memref<128xi32, #tpu.memory_space<vmem_shared>>
        tpu.wait_dma2 semaphore(%run_scoped3A : memref<!tpu.dma_semaphore, #tpu.memory_space<semaphore_mem>>) src(%arg8 : memref<128xi32, #tpu.memory_space<vmem>>) dst(%dma_wait3A_331 : memref<128xi32, #tpu.memory_space<vmem_shared>>)
        tpu.yield
      }) : () -> ()
    } else {
    }
    %barrier3A = arith.constant 0 : index
    tpu.barrier barrier_id(%barrier3A)
    %lt3A_77 = arith.constant 7 : i32
    %lt3A_78 = arith.cmpi slt, %select_n3A_30, %lt3A_77 : i32
    %convert_element_type3A_79 = arith.extui %lt3A_78 : i1 to i32
    %cond3A_80 = arith.constant 0 : i32
    %cond3A_81 = arith.cmpi ne, %convert_element_type3A_79, %cond3A_80 : i32
    scf.if %cond3A_81 {
      "tpu.region"() ({
        %run_scoped3A = tpu.sem_alloc : memref<!tpu.dma_semaphore, #tpu.memory_space<semaphore_mem>>
        %dma_start3A = arith.constant 0 : i32
        %dma_start3A_86 = tpu.memref_slice %arg11[%select_n3A_70, %dma_start3A] : memref<2x128xi32, #tpu.memory_space<vmem_shared>> -> memref<1x128xi32, #tpu.memory_space<vmem_shared>>
        %dma_start3A_87 = tpu.memref_squeeze %dma_start3A_86 : memref<1x128xi32, #tpu.memory_space<vmem_shared>> -> memref<128xi32, #tpu.memory_space<vmem_shared>>
        %dma_start3A_88 = arith.constant 0 : i32
        %dma_start3A_89 = tpu.memref_slice %arg11[%select_n3A_70, %dma_start3A_88] : memref<2x128xi32, #tpu.memory_space<vmem_shared>> -> memref<1x128xi32, #tpu.memory_space<vmem_shared>>
        %dma_start3A_90 = tpu.memref_squeeze %dma_start3A_89 : memref<1x128xi32, #tpu.memory_space<vmem_shared>> -> memref<128xi32, #tpu.memory_space<vmem_shared>>
        tpu.enqueue_dma source(%dma_start3A_90 : memref<128xi32, #tpu.memory_space<vmem_shared>>) target(%arg9 : memref<128xi32, #tpu.memory_space<vmem>>) target_semaphore(%run_scoped3A : memref<!tpu.dma_semaphore, #tpu.memory_space<semaphore_mem>>)
        %dma_wait3A = arith.constant 0 : i32
        %dma_wait3A_91 = tpu.memref_slice %arg11[%select_n3A_70, %dma_wait3A] : memref<2x128xi32, #tpu.memory_space<vmem_shared>> -> memref<1x128xi32, #tpu.memory_space<vmem_shared>>
        %dma_wait3A_92 = tpu.memref_squeeze %dma_wait3A_91 : memref<1x128xi32, #tpu.memory_space<vmem_shared>> -> memref<128xi32, #tpu.memory_space<vmem_shared>>
        %dma_wait3A_93 = arith.constant 0 : i32
        %dma_wait3A_94 = tpu.memref_slice %arg11[%select_n3A_70, %dma_wait3A_93] : memref<2x128xi32, #tpu.memory_space<vmem_shared>> -> memref<1x128xi32, #tpu.memory_space<vmem_shared>>
        %dma_wait3A_95 = tpu.memref_squeeze %dma_wait3A_94 : memref<1x128xi32, #tpu.memory_space<vmem_shared>> -> memref<128xi32, #tpu.memory_space<vmem_shared>>
        tpu.wait_dma2 semaphore(%run_scoped3A : memref<!tpu.dma_semaphore, #tpu.memory_space<semaphore_mem>>) src(%dma_wait3A_95 : memref<128xi32, #tpu.memory_space<vmem_shared>>) dst(%arg9 : memref<128xi32, #tpu.memory_space<vmem>>)
        tpu.yield
      }) : () -> ()
      %mul3A_82 = arith.constant 16 : i32
      %mul3A_83 = arith.muli %mul3A_82, %select_n3A_30 : i32
      "tpu.region"() ({
        %run_scoped3A = tpu.sem_alloc : memref<!tpu.dma_semaphore, #tpu.memory_space<semaphore_mem>>
        %dma_start3A = tpu.memref_slice %arg9[%mul3A_83] : memref<128xi32, #tpu.memory_space<vmem>> -> memref<16xi32, #tpu.memory_space<vmem>>
        %dma_start3A_86 = arith.constant 0 : i32
        %dma_start3A_87 = arith.constant 0 : i32
        %dma_start3A_88 = tpu.memref_slice %arg3[%dma_start3A_86, %dma_start3A_87] : memref<16384x1024xf32, #tpu.memory_space<hbm>> -> memref<16384x1024xf32, #tpu.memory_space<hbm>>
        tpu.enqueue_indirect_dma source(%dma_start3A_88 : memref<16384x1024xf32, #tpu.memory_space<hbm>>) target(%arg10 : memref<16x1024xf32, #tpu.memory_space<vmem>>) offsets(%dma_start3A : memref<16xi32, #tpu.memory_space<vmem>>) semaphore(%run_scoped3A : memref<!tpu.dma_semaphore, #tpu.memory_space<semaphore_mem>>)
        %dma_wait3A = tpu.memref_slice %arg9[%mul3A_83] : memref<128xi32, #tpu.memory_space<vmem>> -> memref<16xi32, #tpu.memory_space<vmem>>
        %dma_wait3A_89 = arith.constant 0 : i32
        %dma_wait3A_90 = arith.constant 0 : i32
        %dma_wait3A_91 = tpu.memref_slice %arg3[%dma_wait3A_89, %dma_wait3A_90] : memref<16384x1024xf32, #tpu.memory_space<hbm>> -> memref<16384x1024xf32, #tpu.memory_space<hbm>>
        tpu.wait_indirect_dma semaphore(%run_scoped3A : memref<!tpu.dma_semaphore, #tpu.memory_space<semaphore_mem>>) src(%dma_wait3A_91 : memref<16384x1024xf32, #tpu.memory_space<hbm>>) dst(%arg10 : memref<16x1024xf32, #tpu.memory_space<vmem>>)
        tpu.yield
      }) : () -> ()
      %mul3A_84 = arith.constant 16 : i32
      %mul3A_85 = arith.muli %mul3A_84, %select_n3A_30 : i32
      "tpu.region"() ({
        %run_scoped3A = tpu.sem_alloc : memref<!tpu.dma_semaphore, #tpu.memory_space<semaphore_mem>>
        %dma_start3A = arith.constant 0 : i32
        %dma_start3A_86 = tpu.memref_slice %arg4[%select_n3A, %mul3A_85, %dma_start3A] : memref<4x112x1024xf32, #tpu.memory_space<hbm>> -> memref<1x16x1024xf32, #tpu.memory_space<hbm>>
        %dma_start3A_87 = tpu.memref_squeeze %dma_start3A_86 : memref<1x16x1024xf32, #tpu.memory_space<hbm>> -> memref<16x1024xf32, #tpu.memory_space<hbm>>
        %dma_start3A_88 = arith.constant 0 : i32
        %dma_start3A_89 = tpu.memref_slice %arg4[%select_n3A, %mul3A_85, %dma_start3A_88] : memref<4x112x1024xf32, #tpu.memory_space<hbm>> -> memref<1x16x1024xf32, #tpu.memory_space<hbm>>
        %dma_start3A_90 = tpu.memref_squeeze %dma_start3A_89 : memref<1x16x1024xf32, #tpu.memory_space<hbm>> -> memref<16x1024xf32, #tpu.memory_space<hbm>>
        tpu.enqueue_dma source(%arg10 : memref<16x1024xf32, #tpu.memory_space<vmem>>) target(%dma_start3A_90 : memref<16x1024xf32, #tpu.memory_space<hbm>>) target_semaphore(%run_scoped3A : memref<!tpu.dma_semaphore, #tpu.memory_space<semaphore_mem>>)
        %dma_wait3A = arith.constant 0 : i32
        %dma_wait3A_91 = tpu.memref_slice %arg4[%select_n3A, %mul3A_85, %dma_wait3A] : memref<4x112x1024xf32, #tpu.memory_space<hbm>> -> memref<1x16x1024xf32, #tpu.memory_space<hbm>>
        %dma_wait3A_92 = tpu.memref_squeeze %dma_wait3A_91 : memref<1x16x1024xf32, #tpu.memory_space<hbm>> -> memref<16x1024xf32, #tpu.memory_space<hbm>>
        %dma_wait3A_93 = arith.constant 0 : i32
        %dma_wait3A_94 = tpu.memref_slice %arg4[%select_n3A, %mul3A_85, %dma_wait3A_93] : memref<4x112x1024xf32, #tpu.memory_space<hbm>> -> memref<1x16x1024xf32, #tpu.memory_space<hbm>>
        %dma_wait3A_95 = tpu.memref_squeeze %dma_wait3A_94 : memref<1x16x1024xf32, #tpu.memory_space<hbm>> -> memref<16x1024xf32, #tpu.memory_space<hbm>>
        tpu.wait_dma2 semaphore(%run_scoped3A : memref<!tpu.dma_semaphore, #tpu.memory_space<semaphore_mem>>) src(%arg10 : memref<16x1024xf32, #tpu.memory_space<vmem>>) dst(%dma_wait3A_95 : memref<16x1024xf32, #tpu.memory_space<hbm>>)
        tpu.yield
      }) : () -> ()
    } else {
    }
    return
  }
}

module attributes {stable_mosaic.version = 14 : i64} {
  func.func @_tc_body(%arg0: memref<4x1024xf32, #tpu.memory_space<vmem>>, %arg1: memref<448x1024xf32, #tpu.memory_space<vmem>>, %arg2: memref<1024x1024xf32, #tpu.memory_space<vmem>>, %arg3: memref<1x1024xf32, #tpu.memory_space<vmem>>, %arg4: memref<1024x1024xf32, #tpu.memory_space<vmem>>, %arg5: memref<1x1024xf32, #tpu.memory_space<vmem>>, %arg6: memref<1024x1024xf32, #tpu.memory_space<vmem>>, %arg7: memref<1x1024xf32, #tpu.memory_space<vmem>>, %arg8: memref<1024x1024xf32, #tpu.memory_space<vmem>>, %arg9: memref<1x1024xf32, #tpu.memory_space<vmem>>, %arg10: memref<4x1024xf32, #tpu.memory_space<vmem>>) attributes {dimension_semantics = [], scalar_prefetch = 0 : i64, scratch_operands = 0 : i64, tpu.core_type = #tpu.core_type<tc>} {
    %get3A = arith.constant 0 : index
    %get3A_0 = arith.constant 0 : index
    %get3A_1 = vector.load %arg0[%get3A, %get3A_0] : memref<4x1024xf32, #tpu.memory_space<vmem>>, vector<4x1024xf32>
    %get3A_2 = arith.constant 0 : index
    %get3A_3 = arith.constant 0 : index
    %get3A_4 = vector.load %arg1[%get3A_2, %get3A_3] : memref<448x1024xf32, #tpu.memory_space<vmem>>, vector<448x1024xf32>
    %get3A_5 = arith.constant 0 : index
    %get3A_6 = arith.constant 0 : index
    %get3A_7 = vector.load %arg2[%get3A_5, %get3A_6] : memref<1024x1024xf32, #tpu.memory_space<vmem>>, vector<1024x1024xf32>
    %dot_general3A = arith.constant dense<0.000000e+00> : vector<4x1024xf32>
    %dot_general3A_8 = tpu.matmul %get3A_1, %get3A_7, %dot_general3A {dimension_numbers = #tpu.dot_dimension_numbers<[1], [1], [0], [0], [0, 0, 1, 0], [], []>, transpose_lhs_hint = false} : vector<4x1024xf32>, vector<1024x1024xf32>, vector<4x1024xf32> -> vector<4x1024xf32>
    %get3A_9 = arith.constant 0 : index
    %get3A_10 = arith.constant 0 : index
    %get3A_11 = vector.load %arg3[%get3A_9, %get3A_10] : memref<1x1024xf32, #tpu.memory_space<vmem>>, vector<1x1024xf32>
    %add3A = vector.broadcast %get3A_11 : vector<1x1024xf32> to vector<4x1024xf32>
    %add3A_12 = arith.addf %dot_general3A_8, %add3A : vector<4x1024xf32>
    %get3A_13 = arith.constant 0 : index
    %get3A_14 = arith.constant 0 : index
    %get3A_15 = vector.load %arg4[%get3A_13, %get3A_14] : memref<1024x1024xf32, #tpu.memory_space<vmem>>, vector<1024x1024xf32>
    %dot_general3A_16 = arith.constant dense<0.000000e+00> : vector<448x1024xf32>
    %dot_general3A_17 = tpu.matmul %get3A_4, %get3A_15, %dot_general3A_16 {dimension_numbers = #tpu.dot_dimension_numbers<[1], [1], [0], [0], [0, 0, 1, 0], [], []>, transpose_lhs_hint = false} : vector<448x1024xf32>, vector<1024x1024xf32>, vector<448x1024xf32> -> vector<448x1024xf32>
    %get3A_18 = arith.constant 0 : index
    %get3A_19 = arith.constant 0 : index
    %get3A_20 = vector.load %arg5[%get3A_18, %get3A_19] : memref<1x1024xf32, #tpu.memory_space<vmem>>, vector<1x1024xf32>
    %add3A_21 = vector.broadcast %get3A_20 : vector<1x1024xf32> to vector<448x1024xf32>
    %add3A_22 = arith.addf %dot_general3A_17, %add3A_21 : vector<448x1024xf32>
    %get3A_23 = arith.constant 0 : index
    %get3A_24 = arith.constant 0 : index
    %get3A_25 = vector.load %arg6[%get3A_23, %get3A_24] : memref<1024x1024xf32, #tpu.memory_space<vmem>>, vector<1024x1024xf32>
    %dot_general3A_26 = arith.constant dense<0.000000e+00> : vector<448x1024xf32>
    %dot_general3A_27 = tpu.matmul %get3A_4, %get3A_25, %dot_general3A_26 {dimension_numbers = #tpu.dot_dimension_numbers<[1], [1], [0], [0], [0, 0, 1, 0], [], []>, transpose_lhs_hint = false} : vector<448x1024xf32>, vector<1024x1024xf32>, vector<448x1024xf32> -> vector<448x1024xf32>
    %get3A_28 = arith.constant 0 : index
    %get3A_29 = arith.constant 0 : index
    %get3A_30 = vector.load %arg7[%get3A_28, %get3A_29] : memref<1x1024xf32, #tpu.memory_space<vmem>>, vector<1x1024xf32>
    %add3A_31 = vector.broadcast %get3A_30 : vector<1x1024xf32> to vector<448x1024xf32>
    %add3A_32 = arith.addf %dot_general3A_27, %add3A_31 : vector<448x1024xf32>
    %iota3A = tpu.iota {dimensions = array<i32: 0>} : vector<1024x16xi32>
    %iota3A_33 = tpu.iota {dimensions = array<i32: 1>} : vector<1024x16xi32>
    %jit3A = arith.constant 64 : i32
    %div3A = vector.broadcast %jit3A : i32 to vector<1024x16xi32>
    %div3A_34 = arith.divsi %iota3A, %div3A : vector<1024x16xi32>
    %sign3A = arith.constant 0 : i32
    %sign3A_35 = vector.broadcast %sign3A : i32 to vector<1024x16xi32>
    %sign3A_36 = arith.cmpi sgt, %iota3A, %sign3A_35 : vector<1024x16xi32>
    %sign3A_37 = arith.extui %sign3A_36 : vector<1024x16xi1> to vector<1024x16xi32>
    %sign3A_38 = arith.constant 0 : i32
    %sign3A_39 = vector.broadcast %sign3A_38 : i32 to vector<1024x16xi32>
    %sign3A_40 = arith.cmpi slt, %iota3A, %sign3A_39 : vector<1024x16xi32>
    %sign3A_41 = arith.extui %sign3A_40 : vector<1024x16xi1> to vector<1024x16xi32>
    %sign3A_42 = arith.subi %sign3A_37, %sign3A_41 : vector<1024x16xi32>
    %sign3A_43 = arith.constant 0 : i32
    %sign3A_44 = arith.cmpi sgt, %jit3A, %sign3A_43 : i32
    %sign3A_45 = arith.extui %sign3A_44 : i1 to i32
    %sign3A_46 = arith.constant 0 : i32
    %sign3A_47 = arith.cmpi slt, %jit3A, %sign3A_46 : i32
    %sign3A_48 = arith.extui %sign3A_47 : i1 to i32
    %sign3A_49 = arith.subi %sign3A_45, %sign3A_48 : i32
    %ne3A = vector.broadcast %sign3A_49 : i32 to vector<1024x16xi32>
    %ne3A_50 = arith.cmpi ne, %sign3A_42, %ne3A : vector<1024x16xi32>
    %rem3A = vector.broadcast %jit3A : i32 to vector<1024x16xi32>
    %rem3A_51 = arith.remsi %iota3A, %rem3A : vector<1024x16xi32>
    %ne3A_52 = arith.constant 0 : i32
    %ne3A_53 = vector.broadcast %ne3A_52 : i32 to vector<1024x16xi32>
    %ne3A_54 = arith.cmpi ne, %rem3A_51, %ne3A_53 : vector<1024x16xi32>
    %and3A = arith.andi %ne3A_50, %ne3A_54 : vector<1024x16xi1>
    %sub3A = arith.constant 1 : i32
    %sub3A_55 = vector.broadcast %sub3A : i32 to vector<1024x16xi32>
    %sub3A_56 = arith.subi %div3A_34, %sub3A_55 : vector<1024x16xi32>
    %select_n3A = arith.select %and3A, %sub3A_56, %div3A_34 : vector<1024x16xi1>, vector<1024x16xi32>
    %eq3A = arith.cmpi eq, %select_n3A, %iota3A_33 : vector<1024x16xi32>
    %jit3A_57 = arith.constant 1.000000e+00 : f32
    %jit3A_58 = arith.constant 0.000000e+00 : f32
    %broadcast_in_dim3A = vector.broadcast %jit3A_57 : f32 to vector<1024x16xf32>
    %broadcast_in_dim3A_59 = vector.broadcast %jit3A_58 : f32 to vector<1024x16xf32>
    %select_n3A_60 = arith.select %eq3A, %broadcast_in_dim3A, %broadcast_in_dim3A_59 : vector<1024x16xi1>, vector<1024x16xf32>
    %slice3A = vector.extract_strided_slice %add3A_22 {offsets = [0, 0], sizes = [100, 1024], strides = [1, 1]} : vector<448x1024xf32> to vector<100x1024xf32>
    %slice3A_61 = vector.extract_strided_slice %add3A_32 {offsets = [0, 0], sizes = [100, 1024], strides = [1, 1]} : vector<448x1024xf32> to vector<100x1024xf32>
    %slice3A_62 = vector.extract_strided_slice %add3A_12 {offsets = [0, 0], sizes = [1, 1024], strides = [1, 1]} : vector<4x1024xf32> to vector<1x1024xf32>
    %mul3A = vector.broadcast %slice3A_62 : vector<1x1024xf32> to vector<100x1024xf32>
    %mul3A_63 = arith.mulf %slice3A, %mul3A : vector<100x1024xf32>
    %dot_general3A_64 = arith.constant dense<0.000000e+00> : vector<100x16xf32>
    %dot_general3A_65 = tpu.matmul %mul3A_63, %select_n3A_60, %dot_general3A_64 {dimension_numbers = #tpu.dot_dimension_numbers<[1], [0], [0], [1], [0, 0, 1, 1], [], []>, transpose_lhs_hint = false} : vector<100x1024xf32>, vector<1024x16xf32>, vector<100x16xf32> -> vector<100x16xf32>
    %mul3A_66 = arith.constant 1.250000e-01 : f32
    %mul3A_67 = vector.broadcast %mul3A_66 : f32 to vector<100x16xf32>
    %mul3A_68 = arith.mulf %dot_general3A_65, %mul3A_67 : vector<100x16xf32>
    %reduce_max3A = arith.constant dense<0xFF800000> : vector<16xf32>
    %reduce_max3A_69 = vector.multi_reduction <maximumf>, %mul3A_68, %reduce_max3A [0] : vector<100x16xf32> to vector<16xf32>
    %broadcast_in_dim3A_70 = vector.shape_cast %reduce_max3A_69 : vector<16xf32> to vector<1x16xf32>
    %sub3A_71 = vector.broadcast %broadcast_in_dim3A_70 : vector<1x16xf32> to vector<100x16xf32>
    %sub3A_72 = arith.subf %mul3A_68, %sub3A_71 : vector<100x16xf32>
    %exp3A = math.exp %sub3A_72 : vector<100x16xf32>
    %reduce_sum3A = arith.constant dense<0.000000e+00> : vector<16xf32>
    %reduce_sum3A_73 = vector.multi_reduction <add>, %exp3A, %reduce_sum3A [0] : vector<100x16xf32> to vector<16xf32>
    %broadcast_in_dim3A_74 = vector.shape_cast %reduce_sum3A_73 : vector<16xf32> to vector<1x16xf32>
    %div3A_75 = vector.broadcast %broadcast_in_dim3A_74 : vector<1x16xf32> to vector<100x16xf32>
    %div3A_76 = arith.divf %exp3A, %div3A_75 : vector<100x16xf32>
    %dot_general3A_77 = arith.constant dense<0.000000e+00> : vector<100x1024xf32>
    %dot_general3A_78 = tpu.matmul %div3A_76, %select_n3A_60, %dot_general3A_77 {dimension_numbers = #tpu.dot_dimension_numbers<[1], [1], [0], [0], [0, 0, 1, 0], [], []>, transpose_lhs_hint = false} : vector<100x16xf32>, vector<1024x16xf32>, vector<100x1024xf32> -> vector<100x1024xf32>
    %mul3A_79 = arith.mulf %dot_general3A_78, %slice3A_61 : vector<100x1024xf32>
    %reduce_sum3A_80 = arith.constant dense<0.000000e+00> : vector<1024xf32>
    %reduce_sum3A_81 = vector.multi_reduction <add>, %mul3A_79, %reduce_sum3A_80 [0] : vector<100x1024xf32> to vector<1024xf32>
    %broadcast_in_dim3A_82 = vector.shape_cast %reduce_sum3A_81 : vector<1024xf32> to vector<1x1024xf32>
    %slice3A_83 = vector.extract_strided_slice %add3A_22 {offsets = [112, 0], sizes = [100, 1024], strides = [1, 1]} : vector<448x1024xf32> to vector<100x1024xf32>
    %slice3A_84 = vector.extract_strided_slice %add3A_32 {offsets = [112, 0], sizes = [100, 1024], strides = [1, 1]} : vector<448x1024xf32> to vector<100x1024xf32>
    %slice3A_85 = vector.extract_strided_slice %add3A_12 {offsets = [1, 0], sizes = [1, 1024], strides = [1, 1]} : vector<4x1024xf32> to vector<1x1024xf32>
    %mul3A_86 = vector.broadcast %slice3A_85 : vector<1x1024xf32> to vector<100x1024xf32>
    %mul3A_87 = arith.mulf %slice3A_83, %mul3A_86 : vector<100x1024xf32>
    %dot_general3A_88 = arith.constant dense<0.000000e+00> : vector<100x16xf32>
    %dot_general3A_89 = tpu.matmul %mul3A_87, %select_n3A_60, %dot_general3A_88 {dimension_numbers = #tpu.dot_dimension_numbers<[1], [0], [0], [1], [0, 0, 1, 1], [], []>, transpose_lhs_hint = false} : vector<100x1024xf32>, vector<1024x16xf32>, vector<100x16xf32> -> vector<100x16xf32>
    %mul3A_90 = arith.constant 1.250000e-01 : f32
    %mul3A_91 = vector.broadcast %mul3A_90 : f32 to vector<100x16xf32>
    %mul3A_92 = arith.mulf %dot_general3A_89, %mul3A_91 : vector<100x16xf32>
    %reduce_max3A_93 = arith.constant dense<0xFF800000> : vector<16xf32>
    %reduce_max3A_94 = vector.multi_reduction <maximumf>, %mul3A_92, %reduce_max3A_93 [0] : vector<100x16xf32> to vector<16xf32>
    %broadcast_in_dim3A_95 = vector.shape_cast %reduce_max3A_94 : vector<16xf32> to vector<1x16xf32>
    %sub3A_96 = vector.broadcast %broadcast_in_dim3A_95 : vector<1x16xf32> to vector<100x16xf32>
    %sub3A_97 = arith.subf %mul3A_92, %sub3A_96 : vector<100x16xf32>
    %exp3A_98 = math.exp %sub3A_97 : vector<100x16xf32>
    %reduce_sum3A_99 = arith.constant dense<0.000000e+00> : vector<16xf32>
    %reduce_sum3A_100 = vector.multi_reduction <add>, %exp3A_98, %reduce_sum3A_99 [0] : vector<100x16xf32> to vector<16xf32>
    %broadcast_in_dim3A_101 = vector.shape_cast %reduce_sum3A_100 : vector<16xf32> to vector<1x16xf32>
    %div3A_102 = vector.broadcast %broadcast_in_dim3A_101 : vector<1x16xf32> to vector<100x16xf32>
    %div3A_103 = arith.divf %exp3A_98, %div3A_102 : vector<100x16xf32>
    %dot_general3A_104 = arith.constant dense<0.000000e+00> : vector<100x1024xf32>
    %dot_general3A_105 = tpu.matmul %div3A_103, %select_n3A_60, %dot_general3A_104 {dimension_numbers = #tpu.dot_dimension_numbers<[1], [1], [0], [0], [0, 0, 1, 0], [], []>, transpose_lhs_hint = false} : vector<100x16xf32>, vector<1024x16xf32>, vector<100x1024xf32> -> vector<100x1024xf32>
    %mul3A_106 = arith.mulf %dot_general3A_105, %slice3A_84 : vector<100x1024xf32>
    %reduce_sum3A_107 = arith.constant dense<0.000000e+00> : vector<1024xf32>
    %reduce_sum3A_108 = vector.multi_reduction <add>, %mul3A_106, %reduce_sum3A_107 [0] : vector<100x1024xf32> to vector<1024xf32>
    %broadcast_in_dim3A_109 = vector.shape_cast %reduce_sum3A_108 : vector<1024xf32> to vector<1x1024xf32>
    %slice3A_110 = vector.extract_strided_slice %add3A_22 {offsets = [224, 0], sizes = [100, 1024], strides = [1, 1]} : vector<448x1024xf32> to vector<100x1024xf32>
    %slice3A_111 = vector.extract_strided_slice %add3A_32 {offsets = [224, 0], sizes = [100, 1024], strides = [1, 1]} : vector<448x1024xf32> to vector<100x1024xf32>
    %slice3A_112 = vector.extract_strided_slice %add3A_12 {offsets = [2, 0], sizes = [1, 1024], strides = [1, 1]} : vector<4x1024xf32> to vector<1x1024xf32>
    %mul3A_113 = vector.broadcast %slice3A_112 : vector<1x1024xf32> to vector<100x1024xf32>
    %mul3A_114 = arith.mulf %slice3A_110, %mul3A_113 : vector<100x1024xf32>
    %dot_general3A_115 = arith.constant dense<0.000000e+00> : vector<100x16xf32>
    %dot_general3A_116 = tpu.matmul %mul3A_114, %select_n3A_60, %dot_general3A_115 {dimension_numbers = #tpu.dot_dimension_numbers<[1], [0], [0], [1], [0, 0, 1, 1], [], []>, transpose_lhs_hint = false} : vector<100x1024xf32>, vector<1024x16xf32>, vector<100x16xf32> -> vector<100x16xf32>
    %mul3A_117 = arith.constant 1.250000e-01 : f32
    %mul3A_118 = vector.broadcast %mul3A_117 : f32 to vector<100x16xf32>
    %mul3A_119 = arith.mulf %dot_general3A_116, %mul3A_118 : vector<100x16xf32>
    %reduce_max3A_120 = arith.constant dense<0xFF800000> : vector<16xf32>
    %reduce_max3A_121 = vector.multi_reduction <maximumf>, %mul3A_119, %reduce_max3A_120 [0] : vector<100x16xf32> to vector<16xf32>
    %broadcast_in_dim3A_122 = vector.shape_cast %reduce_max3A_121 : vector<16xf32> to vector<1x16xf32>
    %sub3A_123 = vector.broadcast %broadcast_in_dim3A_122 : vector<1x16xf32> to vector<100x16xf32>
    %sub3A_124 = arith.subf %mul3A_119, %sub3A_123 : vector<100x16xf32>
    %exp3A_125 = math.exp %sub3A_124 : vector<100x16xf32>
    %reduce_sum3A_126 = arith.constant dense<0.000000e+00> : vector<16xf32>
    %reduce_sum3A_127 = vector.multi_reduction <add>, %exp3A_125, %reduce_sum3A_126 [0] : vector<100x16xf32> to vector<16xf32>
    %broadcast_in_dim3A_128 = vector.shape_cast %reduce_sum3A_127 : vector<16xf32> to vector<1x16xf32>
    %div3A_129 = vector.broadcast %broadcast_in_dim3A_128 : vector<1x16xf32> to vector<100x16xf32>
    %div3A_130 = arith.divf %exp3A_125, %div3A_129 : vector<100x16xf32>
    %dot_general3A_131 = arith.constant dense<0.000000e+00> : vector<100x1024xf32>
    %dot_general3A_132 = tpu.matmul %div3A_130, %select_n3A_60, %dot_general3A_131 {dimension_numbers = #tpu.dot_dimension_numbers<[1], [1], [0], [0], [0, 0, 1, 0], [], []>, transpose_lhs_hint = false} : vector<100x16xf32>, vector<1024x16xf32>, vector<100x1024xf32> -> vector<100x1024xf32>
    %mul3A_133 = arith.mulf %dot_general3A_132, %slice3A_111 : vector<100x1024xf32>
    %reduce_sum3A_134 = arith.constant dense<0.000000e+00> : vector<1024xf32>
    %reduce_sum3A_135 = vector.multi_reduction <add>, %mul3A_133, %reduce_sum3A_134 [0] : vector<100x1024xf32> to vector<1024xf32>
    %broadcast_in_dim3A_136 = vector.shape_cast %reduce_sum3A_135 : vector<1024xf32> to vector<1x1024xf32>
    %slice3A_137 = vector.extract_strided_slice %add3A_22 {offsets = [336, 0], sizes = [100, 1024], strides = [1, 1]} : vector<448x1024xf32> to vector<100x1024xf32>
    %slice3A_138 = vector.extract_strided_slice %add3A_32 {offsets = [336, 0], sizes = [100, 1024], strides = [1, 1]} : vector<448x1024xf32> to vector<100x1024xf32>
    %slice3A_139 = vector.extract_strided_slice %add3A_12 {offsets = [3, 0], sizes = [1, 1024], strides = [1, 1]} : vector<4x1024xf32> to vector<1x1024xf32>
    %mul3A_140 = vector.broadcast %slice3A_139 : vector<1x1024xf32> to vector<100x1024xf32>
    %mul3A_141 = arith.mulf %slice3A_137, %mul3A_140 : vector<100x1024xf32>
    %dot_general3A_142 = arith.constant dense<0.000000e+00> : vector<100x16xf32>
    %dot_general3A_143 = tpu.matmul %mul3A_141, %select_n3A_60, %dot_general3A_142 {dimension_numbers = #tpu.dot_dimension_numbers<[1], [0], [0], [1], [0, 0, 1, 1], [], []>, transpose_lhs_hint = false} : vector<100x1024xf32>, vector<1024x16xf32>, vector<100x16xf32> -> vector<100x16xf32>
    %mul3A_144 = arith.constant 1.250000e-01 : f32
    %mul3A_145 = vector.broadcast %mul3A_144 : f32 to vector<100x16xf32>
    %mul3A_146 = arith.mulf %dot_general3A_143, %mul3A_145 : vector<100x16xf32>
    %reduce_max3A_147 = arith.constant dense<0xFF800000> : vector<16xf32>
    %reduce_max3A_148 = vector.multi_reduction <maximumf>, %mul3A_146, %reduce_max3A_147 [0] : vector<100x16xf32> to vector<16xf32>
    %broadcast_in_dim3A_149 = vector.shape_cast %reduce_max3A_148 : vector<16xf32> to vector<1x16xf32>
    %sub3A_150 = vector.broadcast %broadcast_in_dim3A_149 : vector<1x16xf32> to vector<100x16xf32>
    %sub3A_151 = arith.subf %mul3A_146, %sub3A_150 : vector<100x16xf32>
    %exp3A_152 = math.exp %sub3A_151 : vector<100x16xf32>
    %reduce_sum3A_153 = arith.constant dense<0.000000e+00> : vector<16xf32>
    %reduce_sum3A_154 = vector.multi_reduction <add>, %exp3A_152, %reduce_sum3A_153 [0] : vector<100x16xf32> to vector<16xf32>
    %broadcast_in_dim3A_155 = vector.shape_cast %reduce_sum3A_154 : vector<16xf32> to vector<1x16xf32>
    %div3A_156 = vector.broadcast %broadcast_in_dim3A_155 : vector<1x16xf32> to vector<100x16xf32>
    %div3A_157 = arith.divf %exp3A_152, %div3A_156 : vector<100x16xf32>
    %dot_general3A_158 = arith.constant dense<0.000000e+00> : vector<100x1024xf32>
    %dot_general3A_159 = tpu.matmul %div3A_157, %select_n3A_60, %dot_general3A_158 {dimension_numbers = #tpu.dot_dimension_numbers<[1], [1], [0], [0], [0, 0, 1, 0], [], []>, transpose_lhs_hint = false} : vector<100x16xf32>, vector<1024x16xf32>, vector<100x1024xf32> -> vector<100x1024xf32>
    %mul3A_160 = arith.mulf %dot_general3A_159, %slice3A_138 : vector<100x1024xf32>
    %reduce_sum3A_161 = arith.constant dense<0.000000e+00> : vector<1024xf32>
    %reduce_sum3A_162 = vector.multi_reduction <add>, %mul3A_160, %reduce_sum3A_161 [0] : vector<100x1024xf32> to vector<1024xf32>
    %broadcast_in_dim3A_163 = vector.shape_cast %reduce_sum3A_162 : vector<1024xf32> to vector<1x1024xf32>
    %concatenate3A = tpu.concatenate %broadcast_in_dim3A_82, %broadcast_in_dim3A_109, %broadcast_in_dim3A_136, %broadcast_in_dim3A_163 in 0 : vector<1x1024xf32>, vector<1x1024xf32>, vector<1x1024xf32>, vector<1x1024xf32> -> vector<4x1024xf32>
    %get3A_164 = arith.constant 0 : index
    %get3A_165 = arith.constant 0 : index
    %get3A_166 = vector.load %arg8[%get3A_164, %get3A_165] : memref<1024x1024xf32, #tpu.memory_space<vmem>>, vector<1024x1024xf32>
    %dot_general3A_167 = arith.constant dense<0.000000e+00> : vector<4x1024xf32>
    %dot_general3A_168 = tpu.matmul %concatenate3A, %get3A_166, %dot_general3A_167 {dimension_numbers = #tpu.dot_dimension_numbers<[1], [1], [0], [0], [0, 0, 1, 0], [], []>, transpose_lhs_hint = false} : vector<4x1024xf32>, vector<1024x1024xf32>, vector<4x1024xf32> -> vector<4x1024xf32>
    %get3A_169 = arith.constant 0 : index
    %get3A_170 = arith.constant 0 : index
    %get3A_171 = vector.load %arg9[%get3A_169, %get3A_170] : memref<1x1024xf32, #tpu.memory_space<vmem>>, vector<1x1024xf32>
    %add3A_172 = vector.broadcast %get3A_171 : vector<1x1024xf32> to vector<4x1024xf32>
    %add3A_173 = arith.addf %dot_general3A_168, %add3A_172 : vector<4x1024xf32>
    %swap3A = arith.constant 0 : index
    %swap3A_174 = arith.constant 0 : index
    %swap3A_175 = vector.load %arg10[%swap3A, %swap3A_174] : memref<4x1024xf32, #tpu.memory_space<vmem>>, vector<4x1024xf32>
    tpu.vector_store %arg10[%swap3A, %swap3A_174], %add3A_173 {strides = array<i32>} : memref<4x1024xf32, #tpu.memory_space<vmem>>, vector<4x1024xf32>,
    return
  }
}

</mosaic_0001>

<sc_bundles>
// kernel: kernel.4.cloned.1.call-start
scs
__scs_entry_jumppad:
0x0: {  	(pc) =	sbr.rel $0x88, $3  }
0x1: {  	(tag) =	ssettag $0x0;
	lr =	simm.s32 $0x1  }
0x2: {  	[smem:$0x3F96] =	sst lr;
	_ =	strace $0xD0000000  }
0x3: {  	_ = 	snop  }
0x4: {  	_ = 	snop  }
0x5: {  	_ = 	snop  }
0x6: {  	_ = 	snop  }
0x7: {  	_ = 	snop  }
__scs_overlays_trampoline_lowered:
0x8: {  	[smem:$0x3FA5] =	sst s0  }
0x9: {  	[smem:$0x3FA6] =	sst s1  }
0xa: {  	[smem:$0x3FA7] =	sst s2  }
0xb: {  	[smem:$0x3FA8] =	sst s3  }
0xc: {  	[smem:$0x3FA9] =	sst s4  }
0xd: {  	[smem:$0x3FAA] =	sst s5  }
0xe: {  	[smem:$0x3FAB] =	sst s6  }
0xf: {  	[smem:$0x3FAC] =	sst s7  }
0x10: {  	[smem:$0x3FAD] =	sst s8  }
0x11: {  	[smem:$0x3FAE] =	sst s9;
	s0 =	simm.s32 @!p0 $0x0  }
0x12: {  	s1 =	sld [smem:$0x3F94];
	s0 =	simm.s32 @p0 $0x1  }
0x13: {  	[smem:$0x3FAF] =	sst s0;
	s0 =	simm.s32 @!p1 $0x0  }
0x14: {  	s2 =	sld [smem:$0x3F93];
	s0 =	simm.s32 @p1 $0x1  }
0x15: {  	[smem:$0x3FB0] =	sst s0;
	s0 =	simm.s32 @!p2 $0x0  }
0x16: {  	s3 =	sld [smem:$0x3FDB];
	s0 =	simm.s32 @p2 $0x1  }
0x17: {  	s4 =	simm.s32 $0x1BF5;
	[smem:$0x3FB2] =	sst s0  }
0x18: {  	s0 =	sld [smem:$0x3F95];
	_ =	swait.ge [sflag:s4], $0x0  }
0x19: {  	s7 =	sld [smem:$0x3F96]  }
0x1a: {  	s8 =	sadd.s32 $0xFFFFE003, lr  }
0x1b: {  	s9 =	sadd.s32 $0xFFFFFEF7, lr;
	s5 =	simm.s32 $0xFFFFFFFF;
	p2 =	slt.u32 s8, $0xFFFFF086  }
0x1c: {  	p1 =	slt.u32 s9, $0xF7A;
	s5 =	simm.s32 @!p2 $0x0  }
0x1d: {  	s5 =	simm.s32 @p1 $0x1;
	p0 =	seq.s32 s7, s2  }
0x1e: {  	s7 =	smul.u32 @!p0 $0xF7A, s2;
	p2 =	seq.s32 @!p0 s5, $0x0  }
0x1f: {  	s9 =	smul.u32 $0xF7A, s1;
	s8 =	simm.s32 @!p0 $0x1BF5;
	p2 =	por !p2, p0  }
0x20: {  	[sflag:s8] =	ssyncset.s32 @!p0 $0xFFFFF086;
	s6 =	sadd.s32 @!p0 s3, s7;
	s7 =	simm.s32 @!p0 $0x108  }
0x21: {  	s3 =	sadd.s32 s3, s9;
	s6 =	sadd.s32 @!p0 $0x88, s6;
	s7 =	simm.s32 @p2 $0x1082  }
0x22: {  	[simem:s7], [sflag:s8] =	dma.local @!p0 [hbm:s6], $0xF7A  }
0x23: {  	s9 =	sor.u32 $0xD0000000, s2;
	s6 =	simm.s32 $0x108;
	_ =	swait.ge @!p0 [sflag:s8], $0x0  }
0x24: {  	s3 =	sadd.s32 $0x88, s3;
	s6 =	simm.s32 @!p1 $0x1082;
	[sflag:s4] =	ssyncset.s32 $0xFFFFF086  }
0x25: {  	[simem:s6], [sflag:s4] =	dma.local [hbm:s3], $0xF7A  }
0x26: {  	[smem:$0x3F96] =	sst s1;
	(tag) =	ssettag s2;
	_ =	strace s9  }
0x27: {  	s1 =	sld [smem:$0x3FA6]  }
0x28: {  	s2 =	sld [smem:$0x3FA7]  }
0x29: {  	s4 =	sld [smem:$0x3FA9]  }
0x2a: {  	p0 =	seq.s32 s5, $0x0;
	s5 =	sld [smem:$0x3FAA]  }
0x2b: {  	s6 =	sld [smem:$0x3FAB]  }
0x2c: {  	s7 =	sld [smem:$0x3FAC]  }
0x2d: {  	s3 =	simm.s32 $0x108;
	s8 =	sld [smem:$0x3FAD]  }
0x2e: {  	s3 =	simm.s32 @!p0 $0x1082;
	s9 =	sld [smem:$0x3FAE]  }
0x2f: {  	lr =	sadd.s32 s0, s3;
	s0 =	sld [smem:$0x3FA5]  }
0x30: {  	s3 =	sld [smem:$0x3FA8]  }
0x31: {  	[smem:$0x3FB1] =	sst s10  }
0x32: {  	s10 =	sld [smem:$0x3FAF];
	_ =	sdelay $0x3  }
0x33: {  	p0 =	seq.s32 s10, $0x1;
	s10 =	sld [smem:$0x3FB1];
	_ =	sdelay $0x3  }
0x34: {  	[smem:$0x3FB1] =	sst s10  }
0x35: {  	s10 =	sld [smem:$0x3FB0];
	_ =	sdelay $0x3  }
0x36: {  	p1 =	seq.s32 s10, $0x1;
	s10 =	sld [smem:$0x3FB1];
	_ =	sdelay $0x3  }
0x37: {  	[smem:$0x3FB1] =	sst s10  }
0x38: {  	s10 =	sld [smem:$0x3FB2]  }
0x39: {  	_ = 	snop;
	(pc) =	sbr.ind lr, $3  }
0x3a: {  	_ = 	snop  }
0x3b: {  	_ = 	snop  }
0x3c: {  	p2 =	seq.s32 s10, $0x1;
	s10 =	sld [smem:$0x3FB1]  }
0x3d: {  	_ =	shalt  }
0x3e: {  	_ =	shalt  }
0x3f: {  	_ =	shalt  }
0x40: {  	_ =	shalt  }
0x41: {  	_ =	shalt  }
0x42: {  	_ =	shalt  }
0x43: {  	_ =	shalt  }
0x44: {  	_ =	shalt  }
0x45: {  	_ =	shalt  }
0x46: {  	_ =	shalt  }
0x47: {  	_ =	shalt  }
0x48: {  	_ =	shalt  }
0x49: {  	_ =	shalt  }
0x4a: {  	_ =	shalt  }
0x4b: {  	_ =	shalt  }
0x4c: {  	_ =	shalt  }
0x4d: {  	_ =	shalt  }
0x4e: {  	_ =	shalt  }
0x4f: {  	_ =	shalt  }
0x50: {  	_ =	shalt  }
0x51: {  	_ =	shalt  }
0x52: {  	_ =	shalt  }
0x53: {  	_ =	shalt  }
0x54: {  	_ =	shalt  }
0x55: {  	_ =	shalt  }
0x56: {  	_ =	shalt  }
0x57: {  	_ =	shalt  }
0x58: {  	_ =	shalt  }
0x59: {  	_ =	shalt  }
0x5a: {  	_ =	shalt  }
0x5b: {  	_ =	shalt  }
0x5c: {  	_ =	shalt  }
0x5d: {  	_ =	shalt  }
0x5e: {  	_ =	shalt  }
0x5f: {  	_ =	shalt  }
0x60: {  	_ =	shalt  }
0x61: {  	_ =	shalt  }
0x62: {  	_ =	shalt  }
0x63: {  	_ =	shalt  }
0x64: {  	_ =	shalt  }
0x65: {  	_ =	shalt  }
0x66: {  	_ =	shalt  }
0x67: {  	_ =	shalt  }
0x68: {  	_ =	shalt  }
0x69: {  	_ =	shalt  }
0x6a: {  	_ =	shalt  }
0x6b: {  	_ =	shalt  }
0x6c: {  	_ =	shalt  }
0x6d: {  	_ =	shalt  }
0x6e: {  	_ =	shalt  }
0x6f: {  	_ =	shalt  }
0x70: {  	_ =	shalt  }
0x71: {  	_ =	shalt  }
0x72: {  	_ =	shalt  }
0x73: {  	_ =	shalt  }
0x74: {  	_ =	shalt  }
0x75: {  	_ =	shalt  }
0x76: {  	_ =	shalt  }
0x77: {  	_ =	shalt  }
0x78: {  	_ =	shalt  }
0x79: {  	_ =	shalt  }
0x7a: {  	_ =	shalt  }
0x7b: {  	_ =	shalt  }
0x7c: {  	_ =	shalt  }
0x7d: {  	_ =	shalt  }
0x7e: {  	_ =	shalt  }
0x7f: {  	_ =	shalt  }
0x80: {  	_ =	shalt  }
0x81: {  	_ =	shalt  }
0x82: {  	_ =	shalt  }
0x83: {  	_ =	shalt  }
0x84: {  	_ =	shalt  }
0x85: {  	_ =	shalt  }
0x86: {  	_ =	shalt  }
0x87: {  	_ =	shalt  }
.Lfunc_end0:
.L_simem_size_0:
called_computation_lowered:
.L_overlay_start_0:
0x88: {  	s2 =	sld [smem:$0x3FD9]  }
0x89: {  	s3 =	sld [smem:$0x3FFE];
	_ =	sdelay $0x1  }
0x8a: {  	s1 =	srdreg.scid  }
0x8b: {  	s0 =	sand.u32 $0x1, s1  }
0x8c: {  	s17 =	sshll.u32 s0, $0xA;
	s2 =	sadd.s32 s3, s2  }
0x8d: {  	s2 =	sadd.s32 s2, s17  }
0x8e: {  	[smem:$0x3FBD] =	sst s2  }
0x8f: {  	_ = 	snop  }
0x90: {  	s2 =	sld [smem:$0x3FC8]  }
0x91: {  	s18 =	sld [smem:$0x3FC7];
	(tm) =	ssettm $0x1  }
0x92: {  	s4 =	sld [smem:$0x3FFB];
	_ =	sdelay $0x3  }
0x93: {  	_ =	strace s4  }
0x94: {  	s4 =	sld [smem:$0x3FFC];
	_ =	sdelay $0x3  }
0x95: {  	_ =	strace s4  }
0x96: {  	s4 =	sld [smem:$0x3FFD];
	_ =	sdelay $0x3  }
0x97: {  	_ =	strace s4  }
0x98: {  	_ =	strace $0x8FFFFFFF  }
0x99: {  	s19 =	sld [smem:$0x3FDB];
	_ =	sdelay $0x1  }
0x9a: {  	s5 =	simm.s32 $_scs_section_size  }
0x9b: {  	s6 =	simm.s32 $_size__tile_overlayer_lowered;
	s7 =	simm.s32 $_tile_overlayer_lowered  }
0x9c: {  	s22 =	simm.s32 $0x1BFF;
	s21 =	sshll.u32 s7, $0x1;
	s4 =	sadd.s32 s5, s19  }
0x9d: {  	s8 =	simm.s32 $0x0;
	s20 =	sshll.u32 s6, $0x1;
	s6 =	sadd.s32 s21, s4  }
0x9e: {  	[timem:s8], [sflag:s22] =	dma.local [hbm:s6], s20  }
0x9f: {  	_ =	swait.ge [sflag:s22], s20  }
0xa0: {  	s5 =	ssub.s32 $0x0, s20;
	[sflag:s22] =	ssyncset.done $0x0  }
0xa1: {  	[sflag:s22] =	ssyncadd.s32 s5;
	_ =	sdelay $0x1  }
0xa2: {  	s23 =	simm.s32 $0x1B8B  }
0xa3: {  	_ =	swait.ge [sflag:s23], $0x1  }
0xa4: {  	[sflag:s23] =	ssyncset.done $0x0  }
0xa5: {  	s25 =	simm.s32 $0x1B8E;
	s24 =	sld [smem:$0x3FFE];
	[sflag:s23] =	ssyncadd.s32 $0xFFFFFFFF  }
0xa6: {  	s26 =	simm.s32 $execute0_lowered;
	[smem:$0x3FD2] =	sst s25  }
0xa7: {  	s6 =	sshll.u32 s26, $0x1;
	_ =	strace $0x80000046;
	[dreg:$0x1] =	wrdreg $0xFFFFFFFF  }
0xa8: {  	s28 =	simm.s32 $_size_execute0_lowered;
	s4 =	sadd.s32 s4, s6;
	[dreg:$0x0] =	wrdreg $0x0  }
0xa9: {  	s6 =	sshll.u32 s28, $0x1;
	[dreg:$0x2] =	wrdreg s4  }
0xaa: {  	[dreg:$0x3] =	wrdreg s6  }
0xab: {  	[dreg:$0x4] =	wrdreg $0xC0  }
0xac: {  	_ =	task [dreg:s8], $0x5FFFF  }
0xad: {  	[dreg:$0x1] =	wrdreg $0xFFFFFFFF  }
0xae: {  	[dreg:$0x0] =	wrdreg $0x60  }
0xaf: {  	[dreg:$0x2] =	wrdreg s18  }
0xb0: {  	[dreg:$0x3] =	wrdreg s2  }
0xb1: {  	[dreg:$0x4] =	wrdreg s24  }
0xb2: {  	[dreg:$0x5] =	wrdreg $0x65000  }
0xb3: {  	[dreg:$0x6] =	wrdreg $0x9  }
0xb4: {  	_ =	task.clear_ibuf [dreg:s8], $0x7FFFF;
	_ =	strace $0x90000046  }
0xb5: {  	s29 =	simm.s32 $0x9;
	_ =	strace $0x80000048  }
0xb6: {  	_ =	swait.ge [sflag:s29], $0x1  }
0xb7: {  	[sflag:s29] =	ssyncadd.s32 $0xFFFFFFFF  }
0xb8: {  	_ =	strace $0x90000048  }
0xb9: {  	_ =	sfence  }
0xba: {  	s30 =	sld [smem:$0x0];
	_ =	sdelay $0x2  }
0xbb: {  	s31 =	sshll.u32 s1, $0xD;
	s1 =	sshrl.u32 s1, $0x2  }
0xbc: {  	s3 =	sand.u32 $0x4000, s31;
	s1 =	sadd.s32 s1, s30  }
0xbd: {  	s0 =	sor.u32 s3, s0;
	s1 =	sshll.u32 s1, $0x11  }
0xbe: {  	s0 =	sor.u32 s1, s0  }
0xbf: {  	s0 =	sadd.s32 $0x8F2B, s0  }
0xc0: {  	[sflag:s0] =	ssyncadd.remote.s32 $0x1  }
0xc1: {  	_ =	sfence.sel $0xFFFF  }
0xc2: {  	[dreg:$0x0] =	wrdreg $0xFFFFFFFF;
	(pc) =	sbr.abs _section_cstart, $3  }
0xc3: {  	[dreg:$0x1] =	wrdreg $0xFFFFFFFF  }
0xc4: {  	_ =	task.clear_ibuf [dreg:s8], $0x2FFFF;
	_ =	strace $0x9FFFFFFF  }
0xc5: {  	(tm) =	ssettm $0x7FFFFFFF  }
tec
execute0_lowered:
.L_overlay_start_1:
0x0: {  	(tag) =	ssettag $0x1  }
0x1: {  	s5 =	rddreg [dreg:$0x0]  }
0x2: {  	s0 =	srdreg.scid;
	s6 =	rddreg [dreg:$0x2]  }
0x3: {  	s3 =	stileid.u32;
	s7 =	rddreg [dreg:$0x3]  }
0x4: {  	s13 =	simm.s32 $0x80;
	s14 =	simm.s32 $0x200;
	s15 =	simm.s32 $0x2000  }
0x5: {  	s16 =	simm.s32 $0x2400;
	s17 =	simm.s32 $0x2480;
	s19 =	simm.s32 $0x2500  }
0x6: {  	s20 =	simm.s32 $0x2D00;
	s21 =	simm.s32 $0x3500;
	s22 =	simm.s32 $0x3D00  }
0x7: {  	s28 =	simm.s32 $0x0;
	s0 =	sand.u32 $0x1, s0;
	s25 =	sand.u32 $0x7, s3  }
0x8: {  	s1 =	sshll.u32 s0, $0x4;
	p0 =	sne.s32 s25, $0x0;
	s10 =	sshll.u32 s25, $0xE  }
0x9: {  	s0 =	ssub.s32 $0x2, s0;
	s18 =	sshll.u32 s25, $0x6;
	s2 =	sor.u32 s3, s1  }
0xa: {  	s1 =	rddreg [dreg:$0x1];
	s3 =	simm.s32 $0x1;
	p1 =	seq.s32 s2, $0x0  }
0xb: {  	s24 =	sshrl.u32 s0, $0x1;
	s18 =	sshrl.u32 s18, $0x2;
	p1 =	por !p0, !p1  }
0xc: {  	s4 =	sshrl.u32 s2, $0x3;
	s0 =	ssub.s32 s0, s24;
	p1 =	por !p1, !p1  }
0xd: {  	s2 =	sshll.u32 s2, $0x9;
	s24 =	simm.s32 $0x4D00;
	s3 =	simm.s32 @!p1 $0x0  }
0xe: {  	s2 =	sand.u32 $0x3000, s2;
	s8 =	ssub.s32 s4, s3;
	s3 =	simm.s32 $0x0  }
0xf: {  	s4 =	simm.s32 $0x1;
	s9 =	smul.u32 $0x1C000, s8;
	[smem:$0x7FF] =	sst s3  }
0x10: {  	s23 =	sshll.u32 s8, $0xC;
	s8 =	sshll.u32 s8, $0x7;
	_ =	strace $0x80000047  }
0x11: {  	s11 =	sand.u32 $0x180, s8;
	s30 =	sand.u32 $0x80, s8;
	s8 =	sadd.s32 $0x200, s1  }
0x12: {  	s9 =	sadd.s32 s10, s9;
	s10 =	sand.u32 $0xFFFFC000, s23;
	s23 =	simm.s32 $0x4500  }
0x13: {  	s9 =	sshrl.u32 s9, $0x3;
	s26 =	sor.u32 s11, s10;
	s11 =	simm.s32 $0xFFFFFFFF  }
.Ltmp0:
0x14: {  	s12 =	sadd.s32 s9, s6;
	s29 =	sshrl.u32 s26, $0x3;
	(pc) =	sbr.rel .LBB2_1-.Ltmp0, $4  }
0x15: {  	s11 =	simm.s32 @!p1 $0x0;
	s6 =	sadd.s32 s30, s7;
	s7 =	sadd.s32 $0x100, s1  }
0x16: {  	s9 =	sadd.s32 $0x300, s1;
	p1 =	seq.s32 s25, $0x7;
	s25 =	simm.s32 $0x5500  }
0x17: {  	s26 =	simm.s32 $0x5D00;
	s5 =	sadd.s32 s5, s29;
	s31 =	sshll.u32 s11, $0xC  }
0x18: {  	v0 =	vimm.s32 $0x0;
	v1 =	vimm.s32 $0x1;
	v2 =	vlaneseq.u32;
	s10 =	sadd.s32 $0x1600, s12;
	s11 =	smax.u32 s0, $0x1;
	s12 =	sadd.s32 s31, s2  }
.LBB2_22:
0x19: {  	[tilespmem:s17], [sflag:$0x1] =	stream.linear.gather [spmem:s6], $0x80, $0x38;
	[tilespmem:$0x6510] =	vst v63  }
0x1a: {  	_ =	swait.ge [sflag:s4], $0x80  }
0x1b: {  	[sflag:s4] =	ssyncset.done $0x0  }
0x1c: {  	[sflag:s4] =	ssyncadd.s32 $0xFFFFFF80  }
0x1d: {  	v3 =	vld [tilespmem:s18+$0x2480];
	_ =	sdelay $0x4  }
0x1e: {  	v4 =	vshll.u32 v3, $0x3  }
0x1f: {  	v3 =	vand.u32 $0x7, v3;
	v4 =	vand.u32 $0xFFFFFFC0, v4  }
0x20: {  	v63 =	vand.u32 $0x7, v2;
	v5 =	vshrl.u32 v2, $0x3;
	v3 =	vor.u32 v3, v4  }
0x21: {  	v5 =	vmul.u32 $0x8, v5;
	v4 =	vperm.xlane v3, v63;
	_ =	sdelay $0x1  }
0x22: {  	v4 =	vadd.s32 v5, v4;
	_ =	sdelay $0x3  }
0x23: {  	vm0 =	vmmov $0xffff  }
0x24: {  	v6 =	vor.u32 $0x8, v2;
	[tilespmem:s19], [sflag:$0x1] =	stream.indirect_vreg.gather [hbm4b:s1+s3], $0x80, v4, vm0, $0xb8;
	[tilespmem:$0x6510] =	vst v63  }
0x25: {  	v3 =	vperm.xlane v3, v6  }
0x26: {  	[tilespmem:s20], [sflag:$0x1] =	stream.indirect_vreg.gather [hbm4b:s7+s3], $0x80, v4, vm0, $0xb8;
	[tilespmem:$0x6510] =	vst v63  }
0x27: {  	v3 =	vadd.s32 v5, v3  }
0x28: {  	[tilespmem:s21], [sflag:$0x1] =	stream.indirect_vreg.gather [hbm4b:s8+s3], $0x80, v4, vm0, $0xb8;
	[tilespmem:$0x6510] =	vst v63  }
0x29: {  	_ = 	snop  }
0x2a: {  	[tilespmem:s22], [sflag:$0x1] =	stream.indirect_vreg.gather [hbm4b:s9+s3], $0x80, v4, vm0, $0xb8;
	[tilespmem:$0x6510] =	vst v63  }
0x2b: {  	_ = 	snop  }
0x2c: {  	[tilespmem:s23], [sflag:$0x1] =	stream.indirect_vreg.gather [hbm4b:s1+s3], $0x80, v3, vm0, $0xb8;
	[tilespmem:$0x6510] =	vst v63  }
0x2d: {  	_ = 	snop  }
0x2e: {  	[tilespmem:s24], [sflag:$0x1] =	stream.indirect_vreg.gather [hbm4b:s7+s3], $0x80, v3, vm0, $0xb8;
	[tilespmem:$0x6510] =	vst v63  }
0x2f: {  	_ = 	snop  }
0x30: {  	[tilespmem:s25], [sflag:$0x1] =	stream.indirect_vreg.gather [hbm4b:s8+s3], $0x80, v3, vm0, $0xb8;
	[tilespmem:$0x6510] =	vst v63  }
0x31: {  	_ = 	snop  }
0x32: {  	[tilespmem:s26], [sflag:$0x1] =	stream.indirect_vreg.gather [hbm4b:s9+s3], $0x80, v3, vm0, $0xb8;
	[tilespmem:$0x6510] =	vst v63  }
0x33: {  	_ =	swait.ge [sflag:s4], $0x4000  }
0x34: {  	[sflag:s4] =	ssyncset.done $0x0  }
0x35: {  	[sflag:s4] =	ssyncadd.s32 $0xFFFFC000  }
0x36: {  	[hbm4b:s10+s3] =	stream.linear.scatter [tilespmem:s19], [sflag:$0x1], $0x4000, $0x38;
	[tilespmem:$0x6510] =	vst v63  }
0x37: {  	_ =	swait.ge [sflag:s4], $0x4000  }
0x38: {  	[sflag:s4] =	ssyncset.done $0x0  }
0x39: {  	[sflag:s4] =	ssyncadd.s32 $0xFFFFC000  }
.LBB2_23:
0x3a: {  	s28 =	sadd.s32 $0x1, s28  }
0x3b: {  	p2 =	sne.s32 s28, s11  }
.Ltmp1:
0x3c: {  	_ = 	snop;
	(pc) =	sbr.rel @!p2 .LBB2_24-.Ltmp1, $1  }
0x3d: {  	_ =	sdelay $0x3  }
.LBB2_1:
.Ltmp2:
0x3e: {  	(pc) =	sbr.rel @!p0 .LBB2_2-.Ltmp2, $1  }
0x3f: {  	_ =	sdelay $0x3  }
.Ltmp3:
0x40: {  	(pc) =	sbr.rel @p1 .LBB2_23-.Ltmp3, $4  }
.Ltmp4:
0x41: {  	(pc) =	sbr.rel @!p1 .LBB2_22-.Ltmp4, $4  }
0x42: {  	_ = 	snop  }
0x43: {  	[bflag:$0x0] =	sbarrier.arrive $0xFFFF  }
0x44: {  	_ = 	snop  }
0x45: {  	_ = 	snop  }
.LBB2_2:
0x46: {  	s29 =	simm.s32 $0x0  }
0x47: {  	[tilespmem:s29], [sflag:$0x1] =	stream.strided.gather [hbm4b:s5+s13], $0x1000, s14, s13, $0x38;
	[tilespmem:$0x6510] =	vst v63  }
0x48: {  	_ =	swait.ge [sflag:s4], $0x1000  }
0x49: {  	[sflag:s4] =	ssyncset.done $0x0  }
0x4a: {  	[sflag:s4] =	ssyncadd.s32 $0xFFFFF000  }
0x4b: {  	[tilespmem:$0x2000] =	vst v0  }
0x4c: {  	[tilespmem:$0x2010] =	vst v0  }
0x4d: {  	[tilespmem:$0x2020] =	vst v0  }
0x4e: {  	[tilespmem:$0x2030] =	vst v0  }
0x4f: {  	[tilespmem:$0x2040] =	vst v0  }
0x50: {  	[tilespmem:$0x2050] =	vst v0  }
0x51: {  	[tilespmem:$0x2060] =	vst v0  }
0x52: {  	[tilespmem:$0x2070] =	vst v0  }
0x53: {  	[tilespmem:$0x2080] =	vst v0  }
0x54: {  	[tilespmem:$0x2090] =	vst v0  }
0x55: {  	[tilespmem:$0x20A0] =	vst v0  }
0x56: {  	[tilespmem:$0x20B0] =	vst v0  }
0x57: {  	[tilespmem:$0x20C0] =	vst v0  }
0x58: {  	[tilespmem:$0x20D0] =	vst v0  }
0x59: {  	[tilespmem:$0x20E0] =	vst v0  }
0x5a: {  	[tilespmem:$0x20F0] =	vst v0  }
0x5b: {  	[tilespmem:$0x2100] =	vst v0  }
0x5c: {  	[tilespmem:$0x2110] =	vst v0  }
0x5d: {  	[tilespmem:$0x2120] =	vst v0  }
0x5e: {  	[tilespmem:$0x2130] =	vst v0  }
0x5f: {  	[tilespmem:$0x2140] =	vst v0  }
0x60: {  	[tilespmem:$0x2150] =	vst v0  }
0x61: {  	[tilespmem:$0x2160] =	vst v0  }
0x62: {  	[tilespmem:$0x2170] =	vst v0  }
0x63: {  	[tilespmem:$0x2180] =	vst v0  }
0x64: {  	[tilespmem:$0x2190] =	vst v0  }
0x65: {  	[tilespmem:$0x21A0] =	vst v0  }
0x66: {  	[tilespmem:$0x21B0] =	vst v0  }
0x67: {  	[tilespmem:$0x21C0] =	vst v0  }
0x68: {  	[tilespmem:$0x21D0] =	vst v0  }
0x69: {  	[tilespmem:$0x21E0] =	vst v0  }
0x6a: {  	[tilespmem:$0x21F0] =	vst v0  }
0x6b: {  	[tilespmem:$0x2200] =	vst v0  }
0x6c: {  	[tilespmem:$0x2210] =	vst v0  }
0x6d: {  	[tilespmem:$0x2220] =	vst v0  }
0x6e: {  	[tilespmem:$0x2230] =	vst v0  }
0x6f: {  	[tilespmem:$0x2240] =	vst v0  }
0x70: {  	[tilespmem:$0x2250] =	vst v0  }
0x71: {  	[tilespmem:$0x2260] =	vst v0  }
0x72: {  	[tilespmem:$0x2270] =	vst v0  }
0x73: {  	[tilespmem:$0x2280] =	vst v0  }
0x74: {  	[tilespmem:$0x2290] =	vst v0  }
0x75: {  	[tilespmem:$0x22A0] =	vst v0  }
0x76: {  	[tilespmem:$0x22B0] =	vst v0  }
0x77: {  	[tilespmem:$0x22C0] =	vst v0  }
0x78: {  	[tilespmem:$0x22D0] =	vst v0  }
0x79: {  	[tilespmem:$0x22E0] =	vst v0  }
0x7a: {  	[tilespmem:$0x22F0] =	vst v0  }
0x7b: {  	[tilespmem:$0x2300] =	vst v0  }
0x7c: {  	[tilespmem:$0x2310] =	vst v0  }
0x7d: {  	[tilespmem:$0x2320] =	vst v0  }
0x7e: {  	[tilespmem:$0x2330] =	vst v0  }
0x7f: {  	[tilespmem:$0x2340] =	vst v0  }
0x80: {  	[tilespmem:$0x2350] =	vst v0  }
0x81: {  	[tilespmem:$0x2360] =	vst v0  }
0x82: {  	[tilespmem:$0x2370] =	vst v0  }
0x83: {  	[tilespmem:$0x2380] =	vst v0  }
0x84: {  	[tilespmem:$0x2390] =	vst v0  }
0x85: {  	[tilespmem:$0x23A0] =	vst v0  }
0x86: {  	[tilespmem:$0x23B0] =	vst v0  }
0x87: {  	[tilespmem:$0x23C0] =	vst v0  }
0x88: {  	[tilespmem:$0x23D0] =	vst v0  }
0x89: {  	[tilespmem:$0x23E0] =	vst v0  }
0x8a: {  	s2 =	simm.s32 $0x0;
	[tilespmem:$0x23F0] =	vst v0  }
.LBB2_3:
0x8b: {  	s0 =	sshra.s32 s2, $0x2  }
0x8c: {  	v3 =	vld [tilespmem:s0+$0x0];
	_ =	sdelay $0x4  }
0x8d: {  	v4 =	vshra.s32 v3, $0x1F  }
0x8e: {  	v4 =	vor.u32 $0x80000000, v4  }
0x8f: {  	v3 =	vxor.u32 v3, v4  }
0x90: {  	v4 =	vshrl.u32 v3, $0x18;
	_ =	sdelay $0x3  }
0x91: {  	s30 =	simm.s32 $0x2000;
	[tilespmem:s0+$0x1000] =	vst v3  }
0x92: {  	[tilespmem:v4+s30+$0x0] =	vst.idx.add.s32.msk $0xffff, v1  }
0x93: {  	v3 =	vld [tilespmem:s0+$0x10];
	_ =	sdelay $0x4  }
0x94: {  	v61 =	vshra.s32 v3, $0x1F  }
0x95: {  	v4 =	vor.u32 $0x80000000, v61  }
0x96: {  	v3 =	vxor.u32 v3, v4  }
0x97: {  	v4 =	vshrl.u32 v3, $0x18  }
0x98: {  	v4 =	vor.u32 $0x100, v4;
	_ =	sdelay $0x3  }
0x99: {  	[tilespmem:s0+$0x1010] =	vst v3  }
0x9a: {  	[tilespmem:v4+s30+$0x0] =	vst.idx.add.s32.msk $0xffff, v1  }
0x9b: {  	v3 =	vld [tilespmem:s0+$0x20];
	_ =	sdelay $0x4  }
0x9c: {  	v62 =	vshra.s32 v3, $0x1F  }
0x9d: {  	v4 =	vor.u32 $0x80000000, v62  }
0x9e: {  	v3 =	vxor.u32 v3, v4  }
0x9f: {  	v4 =	vshrl.u32 v3, $0x18  }
0xa0: {  	v4 =	vor.u32 $0x200, v4;
	_ =	sdelay $0x3  }
0xa1: {  	[tilespmem:s0+$0x1020] =	vst v3  }
0xa2: {  	[tilespmem:v4+s30+$0x0] =	vst.idx.add.s32.msk $0xffff, v1  }
0xa3: {  	v3 =	vld [tilespmem:s0+$0x30];
	_ =	sdelay $0x4  }
0xa4: {  	v63 =	vshra.s32 v3, $0x1F  }
0xa5: {  	v4 =	vor.u32 $0x80000000, v63  }
0xa6: {  	v3 =	vxor.u32 v3, v4  }
0xa7: {  	v4 =	vshrl.u32 v3, $0x18  }
0xa8: {  	p2 =	sne.s32 s2, $0x3F00;
	v4 =	vor.u32 $0x300, v4  }
.Ltmp5:
0xa9: {  	_ = 	snop;
	(pc) =	sbr.rel @p2 .LBB2_3-.Ltmp5, $3  }
0xaa: {  	_ =	sdelay $0x1  }
0xab: {  	[tilespmem:s0+$0x1030] =	vst v3  }
0xac: {  	s2 =	sadd.s32 $0x100, s2;
	[tilespmem:v4+s30+$0x0] =	vst.idx.add.s32.msk $0xffff, v1  }
0xad: {  	v3 =	vld [tilespmem:s30+$0x0];
	s0 =	sand.u32 $0xF0, s29  }
0xae: {  	v4 =	vld [tilespmem:s0+$0x2100]  }
0xaf: {  	v5 =	vld [tilespmem:s0+$0x2200]  }
0xb0: {  	v6 =	vld [tilespmem:s0+$0x2300];
	_ =	sdelay $0x2  }
0xb1: {  	v3 =	vadd.s32 v3, v4  }
0xb2: {  	v3 =	vadd.s32 v5, v3  }
0xb3: {  	v3 =	vadd.s32 v6, v3  }
0xb4: {  	(xrf0) =	vadd.scan.msk.s32 $0xffff, v3;
	_ =	sdelay $0x5  }
0xb5: {  	v5 =	vimm.s32 $0x0;
	v4, _, _ =	vpop (xrf0)  }
0xb6: {  	v4 =	vadd.s32 v5, v4  }
0xb7: {  	v6 =	vxor.u32 $0x80000000, v4  }
0xb8: {  	(xrf0) =	vmax.scan.msk.u32 $0xffff, v6;
	v6 =	vsub.s32 v4, v3  }
0xb9: {  	vm0 =	vgt.s32 v4, $0xF9C;
	vm1 =	vlt.s32 v6, $0xF9D  }
0xba: {  	v6 =	vor.u32 s29, v2;
	vm0 =	vmand vm0, vm1  }
0xbb: {  	v6 =	vnsel vm0, $0x0, v6;
	_ =	sdelay $0x2  }
0xbc: {  	v7 =	vnsel vm0, $0x0, v3;
	v3 =	vadd.s32 v5, v6;
	v6, _, _ =	vpop (xrf0)  }
0xbd: {  	(v2sf) =	vpush v6, $0xF  }
0xbe: {  	s30 =	simm.s32 $0x2010;
	s29 =	simm.s32 $0x10;
	v4 =	vnsel vm0, $0x0, v4  }
0xbf: {  	s31 =	simm.s32 $0x20;
	s2 =	sand.u32 $0xF0, s29;
	v4 =	vadd.s32 v5, v4;
	v5 =	vadd.s32 v5, v7;
	v6 =	vld [tilespmem:s30+$0x0]  }
.LBB2_5:
0xc0: {  	p2 =	sne.s32 s31, $0xF0;
	v7 =	vld [tilespmem:s2+$0x2100]  }
0xc1: {  	v8 =	vld [tilespmem:s2+$0x2200]  }
0xc2: {  	v9 =	vld [tilespmem:s2+$0x2300];
	_ =	sdelay $0x2  }
0xc3: {  	v6 =	vadd.s32 v6, v7  }
0xc4: {  	v6 =	vadd.s32 v8, v6  }
0xc5: {  	v6 =	vadd.s32 v9, v6  }
0xc6: {  	(xrf0) =	vadd.scan.msk.s32 $0xffff, v6;
	_ =	sdelay $0x3  }
0xc7: {  	s0 =	spop (v2sf)  }
0xc8: {  	s0 =	sxor.u32 $0x80000000, s0  }
0xc9: {  	v7, _, _ =	vpop (xrf0);
	v8 =	vmov s0  }
0xca: {  	v7 =	vadd.s32 v8, v7  }
0xcb: {  	vm0 =	vgt.s32 v7, $0xF9C;
	v8 =	vsub.s32 v7, v6;
	v9 =	vxor.u32 $0x80000000, v7  }
0xcc: {  	vm1 =	vlt.s32 v8, $0xF9D;
	(xrf0) =	vmax.scan.msk.u32 $0xffff, v9  }
0xcd: {  	v8 =	vor.u32 s29, v2;
	s29 =	smov.u32 s31;
	vm0 =	vmand vm0, vm1  }
0xce: {  	v8 =	vnsel vm0, $0x0, v8;
	v7 =	vnsel vm0, $0x0, v7;
	v6 =	vnsel vm0, $0x0, v6  }
0xcf: {  	v3 =	vadd.s32 v3, v8;
	v4 =	vadd.s32 v4, v7;
	v5 =	vadd.s32 v5, v6;
	_ =	sdelay $0x1  }
.Ltmp6:
0xd0: {  	(pc) =	sbr.rel @p2 .LBB2_5-.Ltmp6, $4  }
0xd1: {  	v6, _, _ =	vpop (xrf0)  }
0xd2: {  	(v2sf) =	vpush v6, $0xF  }
0xd3: {  	s30 =	sadd.s32 $0x10, s30  }
0xd4: {  	s31 =	sadd.s32 $0x10, s31;
	s2 =	sand.u32 $0xF0, s29;
	v6 =	vld [tilespmem:s30+$0x0]  }
0xd5: {  	v7 =	vld [tilespmem:s2+$0x2100]  }
0xd6: {  	v8 =	vld [tilespmem:s2+$0x2200]  }
0xd7: {  	v9 =	vld [tilespmem:s2+$0x2300];
	[tilespmem:$0x2000] =	vst v0  }
0xd8: {  	[tilespmem:$0x2010] =	vst v0  }
0xd9: {  	[tilespmem:$0x2020] =	vst v0  }
0xda: {  	[tilespmem:$0x2030] =	vst v0  }
0xdb: {  	[tilespmem:$0x2040] =	vst v0  }
0xdc: {  	[tilespmem:$0x2050] =	vst v0  }
0xdd: {  	[tilespmem:$0x2060] =	vst v0  }
0xde: {  	[tilespmem:$0x2070] =	vst v0  }
0xdf: {  	[tilespmem:$0x2080] =	vst v0  }
0xe0: {  	[tilespmem:$0x2090] =	vst v0  }
0xe1: {  	[tilespmem:$0x20A0] =	vst v0  }
0xe2: {  	[tilespmem:$0x20B0] =	vst v0  }
0xe3: {  	[tilespmem:$0x20C0] =	vst v0  }
0xe4: {  	[tilespmem:$0x20D0] =	vst v0  }
0xe5: {  	[tilespmem:$0x20E0] =	vst v0  }
0xe6: {  	[tilespmem:$0x20F0] =	vst v0  }
0xe7: {  	[tilespmem:$0x2100] =	vst v0  }
0xe8: {  	[tilespmem:$0x2110] =	vst v0  }
0xe9: {  	[tilespmem:$0x2120] =	vst v0  }
0xea: {  	[tilespmem:$0x2130] =	vst v0  }
0xeb: {  	[tilespmem:$0x2140] =	vst v0  }
0xec: {  	[tilespmem:$0x2150] =	vst v0  }
0xed: {  	[tilespmem:$0x2160] =	vst v0  }
0xee: {  	[tilespmem:$0x2170] =	vst v0  }
0xef: {  	[tilespmem:$0x2180] =	vst v0  }
0xf0: {  	[tilespmem:$0x2190] =	vst v0  }
0xf1: {  	[tilespmem:$0x21A0] =	vst v0  }
0xf2: {  	[tilespmem:$0x21B0] =	vst v0  }
0xf3: {  	[tilespmem:$0x21C0] =	vst v0  }
0xf4: {  	[tilespmem:$0x21D0] =	vst v0;
	v6 =	vadd.s32 v6, v7  }
0xf5: {  	[tilespmem:$0x21E0] =	vst v0;
	v6 =	vadd.s32 v8, v6  }
0xf6: {  	[tilespmem:$0x21F0] =	vst v0;
	v6 =	vadd.s32 v9, v6  }
0xf7: {  	[tilespmem:$0x2200] =	vst v0;
	(xrf0) =	vadd.scan.msk.s32 $0xffff, v6  }
0xf8: {  	[tilespmem:$0x2210] =	vst v0  }
0xf9: {  	[tilespmem:$0x2220] =	vst v0  }
0xfa: {  	[tilespmem:$0x2230] =	vst v0  }
0xfb: {  	[tilespmem:$0x2240] =	vst v0;
	s0 =	spop (v2sf)  }
0xfc: {  	[tilespmem:$0x2250] =	vst v0;
	s0 =	sxor.u32 $0x80000000, s0  }
0xfd: {  	[tilespmem:$0x2260] =	vst v0;
	v7, _, _ =	vpop (xrf0);
	v8 =	vmov s0  }
0xfe: {  	[tilespmem:$0x2270] =	vst v0;
	v7 =	vadd.s32 v8, v7  }
0xff: {  	[tilespmem:$0x2280] =	vst v0;
	v8 =	vxor.u32 $0x80000000, v7  }
0x100: {  	[tilespmem:$0x2290] =	vst v0;
	(xrf0) =	vmax.scan.msk.u32 $0xffff, v8  }
0x101: {  	[tilespmem:$0x22A0] =	vst v0  }
0x102: {  	[tilespmem:$0x22B0] =	vst v0  }
0x103: {  	[tilespmem:$0x22C0] =	vst v0  }
0x104: {  	[tilespmem:$0x22D0] =	vst v0  }
0x105: {  	[tilespmem:$0x22E0] =	vst v0  }
0x106: {  	[tilespmem:$0x22F0] =	vst v0;
	v8, _, _ =	vpop (xrf0)  }
0x107: {  	[tilespmem:$0x2300] =	vst v0;
	(v2sf) =	vpush v8, $0xF  }
0x108: {  	[tilespmem:$0x2310] =	vst v0;
	v8 =	vsub.s32 v7, v6  }
0x109: {  	[tilespmem:$0x2320] =	vst v0;
	vm0 =	vgt.s32 v7, $0xF9C;
	vm1 =	vlt.s32 v8, $0xF9D  }
0x10a: {  	[tilespmem:$0x2330] =	vst v0;
	v8 =	vor.u32 s29, v2;
	vm0 =	vmand vm0, vm1  }
0x10b: {  	[tilespmem:$0x2340] =	vst v0;
	v8 =	vnsel vm0, $0x0, v8  }
0x10c: {  	[tilespmem:$0x2350] =	vst v0;
	v3 =	vadd.s32 v3, v8  }
0x10d: {  	[tilespmem:$0x2360] =	vst v0;
	v3 =	vxor.u32 $0x80000000, v3  }
0x10e: {  	[tilespmem:$0x2370] =	vst v0;
	(xrf0) =	vmax.scan.msk.u32 $0xffff, v3  }
0x10f: {  	[tilespmem:$0x2380] =	vst v0  }
0x110: {  	[tilespmem:$0x2390] =	vst v0  }
0x111: {  	[tilespmem:$0x23A0] =	vst v0  }
0x112: {  	[tilespmem:$0x23B0] =	vst v0  }
0x113: {  	[tilespmem:$0x23C0] =	vst v0  }
0x114: {  	[tilespmem:$0x23D0] =	vst v0;
	v3, _, _ =	vpop (xrf0)  }
0x115: {  	[tilespmem:$0x23E0] =	vst v0;
	v7 =	vnsel vm0, $0x0, v7;
	v8 =	vnsel vm0, $0x0, v6;
	v3 =	vshll.u32 v3, $0x18  }
0x116: {  	[tilespmem:$0x23F0] =	vst v0;
	s2 =	simm.s32 $0x0;
	v6 =	vadd.s32 v4, v7;
	v4 =	vadd.s32 v5, v8;
	v5 =	vbroadcast v3, $0xF;
	s31 =	spop (v2sf)  }
.LBB2_7:
0x117: {  	s0 =	sshra.s32 s2, $0x2  }
0x118: {  	v7 =	vld [tilespmem:s0+$0x1000];
	_ =	sdelay $0x4  }
0x119: {  	v8 =	vand.u32 $0xFF000000, v7  }
0x11a: {  	v7 =	vshrl.u32 v7, $0x10;
	vm0 =	veq.s32 v8, v5  }
0x11b: {  	v7 =	vand.u32 $0xFF, v7;
	_ =	sdelay $0x4  }
0x11c: {  	[tilespmem:v7+s15+$0x0] =	vst.idx.add.s32.msk vm0, v1  }
0x11d: {  	v7 =	vld [tilespmem:s0+$0x1010];
	_ =	sdelay $0x4  }
0x11e: {  	v8 =	vand.u32 $0xFF000000, v7;
	v7 =	vshrl.u32 v7, $0x10  }
0x11f: {  	vm13 =	veq.s32 v8, v5;
	v7 =	vand.u32 $0xFF, v7  }
0x120: {  	v7 =	vor.u32 $0x100, v7;
	_ =	sdelay $0x4  }
0x121: {  	[tilespmem:v7+s15+$0x0] =	vst.idx.add.s32.msk vm13, v1  }
0x122: {  	v7 =	vld [tilespmem:s0+$0x1020];
	_ =	sdelay $0x4  }
0x123: {  	v8 =	vand.u32 $0xFF000000, v7;
	v7 =	vshrl.u32 v7, $0x10  }
0x124: {  	vm14 =	veq.s32 v8, v5;
	v7 =	vand.u32 $0xFF, v7  }
0x125: {  	v7 =	vor.u32 $0x200, v7;
	_ =	sdelay $0x4  }
0x126: {  	[tilespmem:v7+s15+$0x0] =	vst.idx.add.s32.msk vm14, v1  }
0x127: {  	v7 =	vld [tilespmem:s0+$0x1030];
	_ =	sdelay $0x4  }
0x128: {  	v8 =	vand.u32 $0xFF000000, v7;
	v7 =	vshrl.u32 v7, $0x10  }
0x129: {  	vm15 =	veq.s32 v8, v5;
	v7 =	vand.u32 $0xFF, v7  }
0x12a: {  	p2 =	sne.s32 s2, $0x3F00;
	v7 =	vor.u32 $0x300, v7  }
.Ltmp7:
0x12b: {  	_ = 	snop;
	(pc) =	sbr.rel @p2 .LBB2_7-.Ltmp7, $2  }
0x12c: {  	_ =	sdelay $0x2  }
0x12d: {  	s2 =	sadd.s32 $0x100, s2;
	[tilespmem:v7+s15+$0x0] =	vst.idx.add.s32.msk vm15, v1  }
0x12e: {  	v5 =	vxor.u32 $0x80000000, v6  }
0x12f: {  	(xrf0) =	vmax.scan.msk.u32 $0xffff, v5  }
0x130: {  	v4 =	vxor.u32 $0x80000000, v4  }
0x131: {  	(xrf0) =	vmax.scan.msk.u32 $0xffff, v4;
	_ =	sdelay $0x3  }
0x132: {  	v4, _, _ =	vpop (xrf0)  }
0x133: {  	(v2sf) =	vpush v4, $0xF  }
0x134: {  	s0 =	simm.s32 $0x0;
	s2 =	simm.s32 $0x2000;
	v4, _, _ =	vpop (xrf0)  }
0x135: {  	v5 =	vld [tilespmem:s2+$0x0];
	s2 =	sand.u32 $0xF0, s0;
	(v2sf) =	vpush v4, $0xF  }
0x136: {  	v4 =	vld [tilespmem:s2+$0x2100]  }
0x137: {  	v6 =	vld [tilespmem:s2+$0x2200]  }
0x138: {  	v7 =	vld [tilespmem:s2+$0x2300];
	_ =	sdelay $0x2  }
0x139: {  	v4 =	vadd.s32 v5, v4  }
0x13a: {  	v4 =	vadd.s32 v6, v4  }
0x13b: {  	v5 =	vadd.s32 v7, v4  }
0x13c: {  	(xrf0) =	vadd.scan.msk.s32 $0xffff, v5;
	_ =	sdelay $0x3  }
0x13d: {  	s2 =	spop (v2sf)  }
0x13e: {  	s2 =	sxor.u32 $0x80000000, s2  }
0x13f: {  	v6 =	vimm.s32 $0x0;
	v4, _, _ =	vpop (xrf0);
	v7 =	vmov s2;
	s2 =	spop (v2sf)  }
0x140: {  	v8 =	vadd.s32 v6, v4;
	s29 =	sxor.u32 $0x80000000, s2;
	v4 =	vadd.s32 $0xFFFFF064, v7  }
0x141: {  	v7 =	vxor.u32 $0x80000000, v8;
	v9 =	vsub.s32 s29, v4  }
0x142: {  	(xrf0) =	vmax.scan.msk.u32 $0xffff, v7;
	v7 =	vbroadcast v9, $0x0  }
0x143: {  	v9 =	vsub.s32 v8, v5  }
0x144: {  	vm0 =	vgt.s32 v8, v7;
	vm1 =	vle.s32 v9, v7  }
0x145: {  	v9 =	vor.u32 s0, v2;
	vm0 =	vmand vm0, vm1  }
0x146: {  	v9 =	vnsel vm0, $0x0, v9;
	_ =	sdelay $0x2  }
0x147: {  	v10 =	vnsel vm0, $0x0, v8;
	v8 =	vadd.s32 v6, v9;
	v9, _, _ =	vpop (xrf0)  }
0x148: {  	(v2sf) =	vpush v9, $0xF  }
0x149: {  	s30 =	simm.s32 $0x10;
	s31 =	simm.s32 $0x2010;
	v11 =	vnsel vm0, $0x0, v5  }
0x14a: {  	s2 =	simm.s32 $0x20;
	s0 =	sand.u32 $0xF0, s30;
	v5 =	vadd.s32 v6, v10;
	v6 =	vadd.s32 v6, v11;
	v9 =	vld [tilespmem:s31+$0x0]  }
.LBB2_9:
0x14b: {  	p2 =	sne.s32 s2, $0xF0;
	v10 =	vld [tilespmem:s0+$0x2100]  }
0x14c: {  	v11 =	vld [tilespmem:s0+$0x2200]  }
0x14d: {  	v12 =	vld [tilespmem:s0+$0x2300];
	_ =	sdelay $0x2  }
0x14e: {  	v9 =	vadd.s32 v9, v10  }
0x14f: {  	v9 =	vadd.s32 v11, v9  }
0x150: {  	v9 =	vadd.s32 v12, v9  }
0x151: {  	(xrf0) =	vadd.scan.msk.s32 $0xffff, v9;
	_ =	sdelay $0x3  }
0x152: {  	s0 =	spop (v2sf)  }
0x153: {  	s0 =	sxor.u32 $0x80000000, s0  }
0x154: {  	v10, _, _ =	vpop (xrf0);
	v11 =	vmov s0  }
0x155: {  	v10 =	vadd.s32 v11, v10  }
0x156: {  	vm0 =	vgt.s32 v10, v7;
	v11 =	vsub.s32 v10, v9;
	v12 =	vxor.u32 $0x80000000, v10  }
0x157: {  	vm1 =	vle.s32 v11, v7;
	(xrf0) =	vmax.scan.msk.u32 $0xffff, v12  }
0x158: {  	v11 =	vor.u32 s30, v2;
	s30 =	smov.u32 s2;
	vm0 =	vmand vm0, vm1  }
0x159: {  	v11 =	vnsel vm0, $0x0, v11;
	v10 =	vnsel vm0, $0x0, v10;
	v9 =	vnsel vm0, $0x0, v9  }
0x15a: {  	v8 =	vadd.s32 v8, v11;
	v5 =	vadd.s32 v5, v10;
	v6 =	vadd.s32 v6, v9;
	_ =	sdelay $0x1  }
.Ltmp8:
0x15b: {  	(pc) =	sbr.rel @p2 .LBB2_9-.Ltmp8, $4  }
0x15c: {  	v9, _, _ =	vpop (xrf0)  }
0x15d: {  	(v2sf) =	vpush v9, $0xF  }
0x15e: {  	s31 =	sadd.s32 $0x10, s31  }
0x15f: {  	s2 =	sadd.s32 $0x10, s2;
	s0 =	sand.u32 $0xF0, s30;
	v9 =	vld [tilespmem:s31+$0x0]  }
0x160: {  	v10 =	vld [tilespmem:s0+$0x2100]  }
0x161: {  	v11 =	vld [tilespmem:s0+$0x2200]  }
0x162: {  	v12 =	vld [tilespmem:s0+$0x2300];
	[tilespmem:$0x2000] =	vst v0  }
0x163: {  	[tilespmem:$0x2010] =	vst v0  }
0x164: {  	[tilespmem:$0x2020] =	vst v0  }
0x165: {  	[tilespmem:$0x2030] =	vst v0  }
0x166: {  	[tilespmem:$0x2040] =	vst v0  }
0x167: {  	[tilespmem:$0x2050] =	vst v0  }
0x168: {  	[tilespmem:$0x2060] =	vst v0  }
0x169: {  	[tilespmem:$0x2070] =	vst v0  }
0x16a: {  	[tilespmem:$0x2080] =	vst v0  }
0x16b: {  	[tilespmem:$0x2090] =	vst v0  }
0x16c: {  	[tilespmem:$0x20A0] =	vst v0  }
0x16d: {  	[tilespmem:$0x20B0] =	vst v0  }
0x16e: {  	[tilespmem:$0x20C0] =	vst v0  }
0x16f: {  	[tilespmem:$0x20D0] =	vst v0  }
0x170: {  	[tilespmem:$0x20E0] =	vst v0  }
0x171: {  	[tilespmem:$0x20F0] =	vst v0  }
0x172: {  	[tilespmem:$0x2100] =	vst v0  }
0x173: {  	[tilespmem:$0x2110] =	vst v0  }
0x174: {  	[tilespmem:$0x2120] =	vst v0  }
0x175: {  	[tilespmem:$0x2130] =	vst v0  }
0x176: {  	[tilespmem:$0x2140] =	vst v0  }
0x177: {  	[tilespmem:$0x2150] =	vst v0  }
0x178: {  	[tilespmem:$0x2160] =	vst v0  }
0x179: {  	[tilespmem:$0x2170] =	vst v0  }
0x17a: {  	[tilespmem:$0x2180] =	vst v0  }
0x17b: {  	[tilespmem:$0x2190] =	vst v0  }
0x17c: {  	[tilespmem:$0x21A0] =	vst v0  }
0x17d: {  	[tilespmem:$0x21B0] =	vst v0  }
0x17e: {  	[tilespmem:$0x21C0] =	vst v0  }
0x17f: {  	[tilespmem:$0x21D0] =	vst v0;
	v9 =	vadd.s32 v9, v10  }
0x180: {  	[tilespmem:$0x21E0] =	vst v0;
	v9 =	vadd.s32 v11, v9  }
0x181: {  	[tilespmem:$0x21F0] =	vst v0;
	v9 =	vadd.s32 v12, v9  }
0x182: {  	[tilespmem:$0x2200] =	vst v0;
	(xrf0) =	vadd.scan.msk.s32 $0xffff, v9  }
0x183: {  	[tilespmem:$0x2210] =	vst v0  }
0x184: {  	[tilespmem:$0x2220] =	vst v0  }
0x185: {  	[tilespmem:$0x2230] =	vst v0  }
0x186: {  	[tilespmem:$0x2240] =	vst v0;
	s2 =	spop (v2sf)  }
0x187: {  	[tilespmem:$0x2250] =	vst v0;
	s0 =	sxor.u32 $0x80000000, s2  }
0x188: {  	[tilespmem:$0x2260] =	vst v0;
	v62, _, _ =	vpop (xrf0);
	v63 =	vmov s0  }
0x189: {  	[tilespmem:$0x2270] =	vst v0;
	v10 =	vadd.s32 v63, v62  }
0x18a: {  	[tilespmem:$0x2280] =	vst v0;
	v11 =	vxor.u32 $0x80000000, v10  }
0x18b: {  	[tilespmem:$0x2290] =	vst v0;
	(xrf0) =	vmax.scan.msk.u32 $0xffff, v11  }
0x18c: {  	[tilespmem:$0x22A0] =	vst v0  }
0x18d: {  	[tilespmem:$0x22B0] =	vst v0  }
0x18e: {  	[tilespmem:$0x22C0] =	vst v0  }
0x18f: {  	[tilespmem:$0x22D0] =	vst v0  }
0x190: {  	[tilespmem:$0x22E0] =	vst v0  }
0x191: {  	[tilespmem:$0x22F0] =	vst v0;
	v11, _, _ =	vpop (xrf0)  }
0x192: {  	[tilespmem:$0x2300] =	vst v0;
	v12 =	vsub.s32 v10, v9;
	(v2sf) =	vpush v11, $0xF  }
0x193: {  	[tilespmem:$0x2310] =	vst v0;
	vm0 =	vgt.s32 v10, v7;
	vm1 =	vle.s32 v12, v7  }
0x194: {  	[tilespmem:$0x2320] =	vst v0;
	v7 =	vor.u32 s30, v2;
	vm0 =	vmand vm0, vm1  }
0x195: {  	[tilespmem:$0x2330] =	vst v0;
	v7 =	vnsel vm0, $0x0, v7  }
0x196: {  	[tilespmem:$0x2340] =	vst v0;
	v7 =	vadd.s32 v8, v7  }
0x197: {  	[tilespmem:$0x2350] =	vst v0;
	v7 =	vxor.u32 $0x80000000, v7  }
0x198: {  	[tilespmem:$0x2360] =	vst v0;
	(xrf0) =	vmax.scan.msk.u32 $0xffff, v7  }
0x199: {  	[tilespmem:$0x2370] =	vst v0  }
0x19a: {  	[tilespmem:$0x2380] =	vst v0  }
0x19b: {  	[tilespmem:$0x2390] =	vst v0  }
0x19c: {  	[tilespmem:$0x23A0] =	vst v0  }
0x19d: {  	[tilespmem:$0x23B0] =	vst v0  }
0x19e: {  	[tilespmem:$0x23C0] =	vst v0;
	v7, _, _ =	vpop (xrf0)  }
0x19f: {  	[tilespmem:$0x23D0] =	vst v0;
	v7 =	vshll.u32 v7, $0x10  }
0x1a0: {  	[tilespmem:$0x23E0] =	vst v0;
	v9 =	vnsel vm0, $0x0, v9;
	v8 =	vnsel vm0, $0x0, v10;
	v3 =	vor.u32 v3, v7  }
0x1a1: {  	[tilespmem:$0x23F0] =	vst v0;
	s2 =	simm.s32 $0x0;
	v7 =	vadd.s32 v5, v8;
	v5 =	vadd.s32 v6, v9;
	v6 =	vbroadcast v3, $0xF;
	s31 =	spop (v2sf)  }
.LBB2_11:
0x1a2: {  	s0 =	sshra.s32 s2, $0x2  }
0x1a3: {  	v8 =	vld [tilespmem:s0+$0x1000];
	_ =	sdelay $0x4  }
0x1a4: {  	v9 =	vand.u32 $0xFFFF0000, v8  }
0x1a5: {  	v8 =	vshrl.u32 v8, $0x8;
	vm0 =	veq.s32 v9, v6  }
0x1a6: {  	v8 =	vand.u32 $0xFF, v8;
	_ =	sdelay $0x4  }
0x1a7: {  	[tilespmem:v8+s15+$0x0] =	vst.idx.add.s32.msk vm0, v1  }
0x1a8: {  	v8 =	vld [tilespmem:s0+$0x1010];
	_ =	sdelay $0x4  }
0x1a9: {  	v61 =	vand.u32 $0xFFFF0000, v8;
	v8 =	vshrl.u32 v8, $0x8  }
0x1aa: {  	vm13 =	veq.s32 v61, v6;
	v8 =	vand.u32 $0xFF, v8  }
0x1ab: {  	v8 =	vor.u32 $0x100, v8;
	_ =	sdelay $0x4  }
0x1ac: {  	[tilespmem:v8+s15+$0x0] =	vst.idx.add.s32.msk vm13, v1  }
0x1ad: {  	v8 =	vld [tilespmem:s0+$0x1020];
	_ =	sdelay $0x4  }
0x1ae: {  	v62 =	vand.u32 $0xFFFF0000, v8;
	v8 =	vshrl.u32 v8, $0x8  }
0x1af: {  	vm14 =	veq.s32 v62, v6;
	v8 =	vand.u32 $0xFF, v8  }
0x1b0: {  	v8 =	vor.u32 $0x200, v8;
	_ =	sdelay $0x4  }
0x1b1: {  	[tilespmem:v8+s15+$0x0] =	vst.idx.add.s32.msk vm14, v1  }
0x1b2: {  	v8 =	vld [tilespmem:s0+$0x1030];
	_ =	sdelay $0x4  }
0x1b3: {  	v63 =	vand.u32 $0xFFFF0000, v8;
	v8 =	vshrl.u32 v8, $0x8  }
0x1b4: {  	vm15 =	veq.s32 v63, v6;
	v8 =	vand.u32 $0xFF, v8  }
0x1b5: {  	p2 =	sne.s32 s2, $0x3F00;
	v8 =	vor.u32 $0x300, v8  }
.Ltmp9:
0x1b6: {  	_ = 	snop;
	(pc) =	sbr.rel @p2 .LBB2_11-.Ltmp9, $2  }
0x1b7: {  	_ =	sdelay $0x2  }
0x1b8: {  	s2 =	sadd.s32 $0x100, s2;
	[tilespmem:v8+s15+$0x0] =	vst.idx.add.s32.msk vm15, v1  }
0x1b9: {  	v6 =	vxor.u32 $0x80000000, v7  }
0x1ba: {  	(xrf0) =	vmax.scan.msk.u32 $0xffff, v6  }
0x1bb: {  	v5 =	vxor.u32 $0x80000000, v5  }
0x1bc: {  	(xrf0) =	vmax.scan.msk.u32 $0xffff, v5;
	_ =	sdelay $0x3  }
0x1bd: {  	v5, _, _ =	vpop (xrf0)  }
0x1be: {  	(v2sf) =	vpush v5, $0xF  }
0x1bf: {  	s0 =	simm.s32 $0x0;
	s2 =	simm.s32 $0x2000;
	v5, _, _ =	vpop (xrf0)  }
0x1c0: {  	v6 =	vld [tilespmem:s2+$0x0];
	s2 =	sand.u32 $0xF0, s0;
	(v2sf) =	vpush v5, $0xF  }
0x1c1: {  	v5 =	vld [tilespmem:s2+$0x2100]  }
0x1c2: {  	v7 =	vld [tilespmem:s2+$0x2200]  }
0x1c3: {  	v8 =	vld [tilespmem:s2+$0x2300];
	_ =	sdelay $0x2  }
0x1c4: {  	v5 =	vadd.s32 v6, v5  }
0x1c5: {  	v5 =	vadd.s32 v7, v5  }
0x1c6: {  	v5 =	vadd.s32 v8, v5  }
0x1c7: {  	(xrf0) =	vadd.scan.msk.s32 $0xffff, v5;
	_ =	sdelay $0x3  }
0x1c8: {  	s2 =	spop (v2sf)  }
0x1c9: {  	s2 =	sxor.u32 $0x80000000, s2  }
0x1ca: {  	v6 =	vimm.s32 $0x0;
	v7, _, _ =	vpop (xrf0);
	s30 =	spop (v2sf);
	s2 =	ssub.s32 s2, s29  }
0x1cb: {  	v8 =	vadd.s32 v6, v7;
	s29 =	sxor.u32 $0x80000000, s30;
	v4 =	vadd.s32 s2, v4  }
0x1cc: {  	v7 =	vxor.u32 $0x80000000, v8;
	v9 =	vsub.s32 s29, v4  }
0x1cd: {  	(xrf0) =	vmax.scan.msk.u32 $0xffff, v7;
	v7 =	vbroadcast v9, $0x0  }
0x1ce: {  	v9 =	vsub.s32 v8, v5  }
0x1cf: {  	vm0 =	vgt.s32 v8, v7;
	vm1 =	vle.s32 v9, v7  }
0x1d0: {  	v9 =	vor.u32 s0, v2;
	vm0 =	vmand vm0, vm1  }
0x1d1: {  	v9 =	vnsel vm0, $0x0, v9;
	_ =	sdelay $0x2  }
0x1d2: {  	v10 =	vnsel vm0, $0x0, v8;
	v8 =	vadd.s32 v6, v9;
	v9, _, _ =	vpop (xrf0)  }
0x1d3: {  	(v2sf) =	vpush v9, $0xF  }
0x1d4: {  	s31 =	simm.s32 $0x2010;
	s30 =	simm.s32 $0x10;
	v11 =	vnsel vm0, $0x0, v5  }
0x1d5: {  	s2 =	simm.s32 $0x20;
	s0 =	sand.u32 $0xF0, s30;
	v5 =	vadd.s32 v6, v10;
	v6 =	vadd.s32 v6, v11;
	v9 =	vld [tilespmem:s31+$0x0]  }
.LBB2_13:
0x1d6: {  	p2 =	sne.s32 s2, $0xF0;
	v10 =	vld [tilespmem:s0+$0x2100]  }
0x1d7: {  	v11 =	vld [tilespmem:s0+$0x2200]  }
0x1d8: {  	v12 =	vld [tilespmem:s0+$0x2300];
	_ =	sdelay $0x2  }
0x1d9: {  	v9 =	vadd.s32 v9, v10  }
0x1da: {  	v9 =	vadd.s32 v11, v9  }
0x1db: {  	v9 =	vadd.s32 v12, v9  }
0x1dc: {  	(xrf0) =	vadd.scan.msk.s32 $0xffff, v9;
	_ =	sdelay $0x3  }
0x1dd: {  	s0 =	spop (v2sf)  }
0x1de: {  	s0 =	sxor.u32 $0x80000000, s0  }
0x1df: {  	v10, _, _ =	vpop (xrf0);
	v11 =	vmov s0  }
0x1e0: {  	v10 =	vadd.s32 v11, v10  }
0x1e1: {  	vm0 =	vgt.s32 v10, v7;
	v11 =	vsub.s32 v10, v9;
	v12 =	vxor.u32 $0x80000000, v10  }
0x1e2: {  	vm1 =	vle.s32 v11, v7;
	(xrf0) =	vmax.scan.msk.u32 $0xffff, v12  }
0x1e3: {  	v11 =	vor.u32 s30, v2;
	s30 =	smov.u32 s2;
	vm0 =	vmand vm0, vm1  }
0x1e4: {  	v11 =	vnsel vm0, $0x0, v11;
	v10 =	vnsel vm0, $0x0, v10;
	v9 =	vnsel vm0, $0x0, v9  }
0x1e5: {  	v8 =	vadd.s32 v8, v11;
	v5 =	vadd.s32 v5, v10;
	v6 =	vadd.s32 v6, v9;
	_ =	sdelay $0x1  }
.Ltmp10:
0x1e6: {  	(pc) =	sbr.rel @p2 .LBB2_13-.Ltmp10, $4  }
0x1e7: {  	v9, _, _ =	vpop (xrf0)  }
0x1e8: {  	(v2sf) =	vpush v9, $0xF  }
0x1e9: {  	s31 =	sadd.s32 $0x10, s31  }
0x1ea: {  	s2 =	sadd.s32 $0x10, s2;
	s0 =	sand.u32 $0xF0, s30;
	v9 =	vld [tilespmem:s31+$0x0]  }
0x1eb: {  	v10 =	vld [tilespmem:s0+$0x2100]  }
0x1ec: {  	v11 =	vld [tilespmem:s0+$0x2200]  }
0x1ed: {  	v12 =	vld [tilespmem:s0+$0x2300];
	[tilespmem:$0x2000] =	vst v0  }
0x1ee: {  	[tilespmem:$0x2010] =	vst v0  }
0x1ef: {  	[tilespmem:$0x2020] =	vst v0  }
0x1f0: {  	[tilespmem:$0x2030] =	vst v0  }
0x1f1: {  	[tilespmem:$0x2040] =	vst v0  }
0x1f2: {  	[tilespmem:$0x2050] =	vst v0  }
0x1f3: {  	[tilespmem:$0x2060] =	vst v0  }
0x1f4: {  	[tilespmem:$0x2070] =	vst v0  }
0x1f5: {  	[tilespmem:$0x2080] =	vst v0  }
0x1f6: {  	[tilespmem:$0x2090] =	vst v0  }
0x1f7: {  	[tilespmem:$0x20A0] =	vst v0  }
0x1f8: {  	[tilespmem:$0x20B0] =	vst v0  }
0x1f9: {  	[tilespmem:$0x20C0] =	vst v0  }
0x1fa: {  	[tilespmem:$0x20D0] =	vst v0  }
0x1fb: {  	[tilespmem:$0x20E0] =	vst v0  }
0x1fc: {  	[tilespmem:$0x20F0] =	vst v0  }
0x1fd: {  	[tilespmem:$0x2100] =	vst v0  }
0x1fe: {  	[tilespmem:$0x2110] =	vst v0  }
0x1ff: {  	[tilespmem:$0x2120] =	vst v0  }
0x200: {  	[tilespmem:$0x2130] =	vst v0  }
0x201: {  	[tilespmem:$0x2140] =	vst v0  }
0x202: {  	[tilespmem:$0x2150] =	vst v0  }
0x203: {  	[tilespmem:$0x2160] =	vst v0  }
0x204: {  	[tilespmem:$0x2170] =	vst v0  }
0x205: {  	[tilespmem:$0x2180] =	vst v0  }
0x206: {  	[tilespmem:$0x2190] =	vst v0  }
0x207: {  	[tilespmem:$0x21A0] =	vst v0  }
0x208: {  	[tilespmem:$0x21B0] =	vst v0  }
0x209: {  	[tilespmem:$0x21C0] =	vst v0  }
0x20a: {  	[tilespmem:$0x21D0] =	vst v0;
	v9 =	vadd.s32 v9, v10  }
0x20b: {  	[tilespmem:$0x21E0] =	vst v0;
	v9 =	vadd.s32 v11, v9  }
0x20c: {  	[tilespmem:$0x21F0] =	vst v0;
	v9 =	vadd.s32 v12, v9  }
0x20d: {  	[tilespmem:$0x2200] =	vst v0;
	(xrf0) =	vadd.scan.msk.s32 $0xffff, v9  }
0x20e: {  	[tilespmem:$0x2210] =	vst v0  }
0x20f: {  	[tilespmem:$0x2220] =	vst v0  }
0x210: {  	[tilespmem:$0x2230] =	vst v0  }
0x211: {  	[tilespmem:$0x2240] =	vst v0;
	s2 =	spop (v2sf)  }
0x212: {  	[tilespmem:$0x2250] =	vst v0;
	s0 =	sxor.u32 $0x80000000, s2  }
0x213: {  	[tilespmem:$0x2260] =	vst v0;
	v62, _, _ =	vpop (xrf0);
	v63 =	vmov s0  }
0x214: {  	[tilespmem:$0x2270] =	vst v0;
	v10 =	vadd.s32 v63, v62  }
0x215: {  	[tilespmem:$0x2280] =	vst v0;
	v11 =	vxor.u32 $0x80000000, v10  }
0x216: {  	[tilespmem:$0x2290] =	vst v0;
	(xrf0) =	vmax.scan.msk.u32 $0xffff, v11  }
0x217: {  	[tilespmem:$0x22A0] =	vst v0  }
0x218: {  	[tilespmem:$0x22B0] =	vst v0  }
0x219: {  	[tilespmem:$0x22C0] =	vst v0  }
0x21a: {  	[tilespmem:$0x22D0] =	vst v0  }
0x21b: {  	[tilespmem:$0x22E0] =	vst v0  }
0x21c: {  	[tilespmem:$0x22F0] =	vst v0;
	v11, _, _ =	vpop (xrf0)  }
0x21d: {  	[tilespmem:$0x2300] =	vst v0;
	v12 =	vsub.s32 v10, v9;
	(v2sf) =	vpush v11, $0xF  }
0x21e: {  	[tilespmem:$0x2310] =	vst v0;
	vm0 =	vgt.s32 v10, v7;
	vm1 =	vle.s32 v12, v7  }
0x21f: {  	[tilespmem:$0x2320] =	vst v0;
	v7 =	vor.u32 s30, v2;
	vm0 =	vmand vm0, vm1  }
0x220: {  	[tilespmem:$0x2330] =	vst v0;
	v7 =	vnsel vm0, $0x0, v7  }
0x221: {  	[tilespmem:$0x2340] =	vst v0;
	v7 =	vadd.s32 v8, v7  }
0x222: {  	[tilespmem:$0x2350] =	vst v0;
	v7 =	vxor.u32 $0x80000000, v7  }
0x223: {  	[tilespmem:$0x2360] =	vst v0;
	(xrf0) =	vmax.scan.msk.u32 $0xffff, v7  }
0x224: {  	[tilespmem:$0x2370] =	vst v0  }
0x225: {  	[tilespmem:$0x2380] =	vst v0  }
0x226: {  	[tilespmem:$0x2390] =	vst v0  }
0x227: {  	[tilespmem:$0x23A0] =	vst v0  }
0x228: {  	[tilespmem:$0x23B0] =	vst v0  }
0x229: {  	[tilespmem:$0x23C0] =	vst v0;
	v7, _, _ =	vpop (xrf0)  }
0x22a: {  	[tilespmem:$0x23D0] =	vst v0;
	v7 =	vshll.u32 v7, $0x8  }
0x22b: {  	[tilespmem:$0x23E0] =	vst v0;
	v9 =	vnsel vm0, $0x0, v9;
	v8 =	vnsel vm0, $0x0, v10;
	v3 =	vor.u32 v3, v7  }
0x22c: {  	[tilespmem:$0x23F0] =	vst v0;
	s2 =	simm.s32 $0x0;
	v7 =	vadd.s32 v5, v8;
	v5 =	vadd.s32 v6, v9;
	v3 =	vbroadcast v3, $0xF;
	s31 =	spop (v2sf)  }
.LBB2_15:
0x22d: {  	s0 =	sshra.s32 s2, $0x2  }
0x22e: {  	v6 =	vld [tilespmem:s0+$0x1000];
	_ =	sdelay $0x4  }
0x22f: {  	v8 =	vand.u32 $0xFFFFFF00, v6  }
0x230: {  	vm0 =	veq.s32 v8, v3  }
0x231: {  	v6 =	vand.u32 $0xFF, v6;
	_ =	sdelay $0x4  }
0x232: {  	[tilespmem:v6+s15+$0x0] =	vst.idx.add.s32.msk vm0, v1  }
0x233: {  	v6 =	vld [tilespmem:s0+$0x1010];
	_ =	sdelay $0x4  }
0x234: {  	v8 =	vand.u32 $0xFFFFFF00, v6  }
0x235: {  	v6 =	vand.u32 $0xFF, v6;
	vm13 =	veq.s32 v8, v3  }
0x236: {  	v6 =	vor.u32 $0x100, v6;
	_ =	sdelay $0x4  }
0x237: {  	[tilespmem:v6+s15+$0x0] =	vst.idx.add.s32.msk vm13, v1  }
0x238: {  	v6 =	vld [tilespmem:s0+$0x1020];
	_ =	sdelay $0x4  }
0x239: {  	v8 =	vand.u32 $0xFFFFFF00, v6  }
0x23a: {  	v6 =	vand.u32 $0xFF, v6;
	vm14 =	veq.s32 v8, v3  }
0x23b: {  	v6 =	vor.u32 $0x200, v6;
	_ =	sdelay $0x4  }
0x23c: {  	[tilespmem:v6+s15+$0x0] =	vst.idx.add.s32.msk vm14, v1  }
0x23d: {  	v6 =	vld [tilespmem:s0+$0x1030];
	_ =	sdelay $0x4  }
0x23e: {  	v8 =	vand.u32 $0xFFFFFF00, v6  }
0x23f: {  	v6 =	vand.u32 $0xFF, v6;
	vm15 =	veq.s32 v8, v3  }
0x240: {  	p2 =	sne.s32 s2, $0x3F00;
	v6 =	vor.u32 $0x300, v6  }
.Ltmp11:
0x241: {  	_ = 	snop;
	(pc) =	sbr.rel @p2 .LBB2_15-.Ltmp11, $2  }
0x242: {  	_ =	sdelay $0x2  }
0x243: {  	s2 =	sadd.s32 $0x100, s2;
	[tilespmem:v6+s15+$0x0] =	vst.idx.add.s32.msk vm15, v1  }
0x244: {  	v6 =	vxor.u32 $0x80000000, v7  }
0x245: {  	v5 =	vxor.u32 $0x80000000, v5;
	(xrf0) =	vmax.scan.msk.u32 $0xffff, v6  }
0x246: {  	(xrf0) =	vmax.scan.msk.u32 $0xffff, v5;
	_ =	sdelay $0x2  }
0x247: {  	s0 =	simm.s32 $0x0  }
0x248: {  	s31 =	sand.u32 $0xF0, s0  }
0x249: {  	s2 =	simm.s32 $0x2000;
	v7 =	vld [tilespmem:s31+$0x2100];
	v5, _, _ =	vpop (xrf0)  }
0x24a: {  	(v2sf) =	vpush v5, $0xF;
	v5 =	vld [tilespmem:s2+$0x0];
	v6, _, _ =	vpop (xrf0)  }
0x24b: {  	(v2sf) =	vpush v6, $0xF;
	v6 =	vld [tilespmem:s31+$0x2200]  }
0x24c: {  	v8 =	vld [tilespmem:s31+$0x2300];
	_ =	sdelay $0x2  }
0x24d: {  	v5 =	vadd.s32 v5, v7  }
0x24e: {  	v5 =	vadd.s32 v6, v5  }
0x24f: {  	v5 =	vadd.s32 v8, v5  }
0x250: {  	(xrf0) =	vadd.scan.msk.s32 $0xffff, v5;
	_ =	sdelay $0x5  }
0x251: {  	v7 =	vimm.s32 $0x0;
	v6, _, _ =	vpop (xrf0)  }
0x252: {  	v8 =	vadd.s32 v7, v6  }
0x253: {  	s31 =	spop (v2sf);
	v6 =	vxor.u32 $0x80000000, v8  }
0x254: {  	s2 =	sxor.u32 $0x80000000, s31;
	(xrf0) =	vmax.scan.msk.u32 $0xffff, v6  }
0x255: {  	s30 =	spop (v2sf);
	s2 =	ssub.s32 s2, s29  }
0x256: {  	s29 =	sxor.u32 $0x80000000, s30;
	v4 =	vadd.s32 s2, v4  }
0x257: {  	v6 =	vsub.s32 s29, v4  }
0x258: {  	v6 =	vbroadcast v6, $0x0  }
0x259: {  	v5 =	vsub.s32 v8, v5  }
0x25a: {  	vm0 =	vgt.s32 v8, v6;
	vm1 =	vle.s32 v5, v6;
	v11, _, _ =	vpop (xrf0)  }
0x25b: {  	v9 =	vor.u32 s0, v2;
	vm0 =	vmand vm0, vm1;
	(v2sf) =	vpush v11, $0xF  }
0x25c: {  	s30 =	simm.s32 $0x2010;
	v5 =	vmov s29;
	s29 =	simm.s32 $0x10;
	v9 =	vnsel vm0, $0x0, v9;
	v10 =	vnsel vm0, $0x0, v8  }
0x25d: {  	s2 =	simm.s32 $0x20;
	s0 =	sand.u32 $0xF0, s29;
	v8 =	vadd.s32 v7, v9;
	v7 =	vadd.s32 v7, v10;
	v9 =	vld [tilespmem:s30+$0x0]  }
.LBB2_17:
0x25e: {  	p2 =	sne.s32 s2, $0xF0;
	v10 =	vld [tilespmem:s0+$0x2100]  }
0x25f: {  	v11 =	vld [tilespmem:s0+$0x2200]  }
0x260: {  	v12 =	vld [tilespmem:s0+$0x2300];
	_ =	sdelay $0x2  }
0x261: {  	v9 =	vadd.s32 v9, v10  }
0x262: {  	v9 =	vadd.s32 v11, v9  }
0x263: {  	v9 =	vadd.s32 v12, v9  }
0x264: {  	(xrf0) =	vadd.scan.msk.s32 $0xffff, v9;
	_ =	sdelay $0x3  }
0x265: {  	s0 =	spop (v2sf)  }
0x266: {  	s0 =	sxor.u32 $0x80000000, s0  }
0x267: {  	v10, _, _ =	vpop (xrf0);
	v11 =	vmov s0  }
0x268: {  	v10 =	vadd.s32 v11, v10  }
0x269: {  	vm0 =	vgt.s32 v10, v6;
	v9 =	vsub.s32 v10, v9;
	v11 =	vxor.u32 $0x80000000, v10  }
0x26a: {  	vm1 =	vle.s32 v9, v6;
	(xrf0) =	vmax.scan.msk.u32 $0xffff, v11  }
0x26b: {  	v9 =	vor.u32 s29, v2;
	s29 =	smov.u32 s2;
	vm0 =	vmand vm0, vm1  }
0x26c: {  	v9 =	vnsel vm0, $0x0, v9;
	v10 =	vnsel vm0, $0x0, v10  }
0x26d: {  	v8 =	vadd.s32 v8, v9;
	v7 =	vadd.s32 v7, v10;
	_ =	sdelay $0x1  }
.Ltmp12:
0x26e: {  	(pc) =	sbr.rel @p2 .LBB2_17-.Ltmp12, $4  }
0x26f: {  	v9, _, _ =	vpop (xrf0)  }
0x270: {  	(v2sf) =	vpush v9, $0xF  }
0x271: {  	s30 =	sadd.s32 $0x10, s30  }
0x272: {  	s2 =	sadd.s32 $0x10, s2;
	s0 =	sand.u32 $0xF0, s29;
	v9 =	vld [tilespmem:s30+$0x0]  }
0x273: {  	v10 =	vld [tilespmem:s0+$0x2100]  }
0x274: {  	v11 =	vld [tilespmem:s0+$0x2200]  }
0x275: {  	v12 =	vld [tilespmem:s0+$0x2300];
	_ =	sdelay $0x2  }
0x276: {  	v9 =	vadd.s32 v9, v10  }
0x277: {  	v9 =	vadd.s32 v11, v9  }
0x278: {  	v9 =	vadd.s32 v12, v9  }
0x279: {  	(xrf0) =	vadd.scan.msk.s32 $0xffff, v9;
	_ =	sdelay $0x3  }
0x27a: {  	s2 =	spop (v2sf)  }
0x27b: {  	s0 =	sxor.u32 $0x80000000, s2  }
0x27c: {  	v61, _, _ =	vpop (xrf0);
	v62 =	vmov s0  }
0x27d: {  	v10 =	vadd.s32 v62, v61  }
0x27e: {  	v9 =	vsub.s32 v10, v9  }
0x27f: {  	vm0 =	vgt.s32 v10, v6;
	vm1 =	vle.s32 v9, v6  }
0x280: {  	v6 =	vor.u32 s29, v2;
	vm0 =	vmand vm0, vm1  }
0x281: {  	v6 =	vnsel vm0, $0x0, v6  }
0x282: {  	v63 =	vxor.u32 $0x80000000, v10;
	v10 =	vnsel vm0, $0x0, v10;
	v6 =	vadd.s32 v8, v6  }
0x283: {  	(xrf0) =	vmax.scan.msk.u32 $0xffff, v63;
	v7 =	vadd.s32 v7, v10;
	v6 =	vxor.u32 $0x80000000, v6  }
0x284: {  	(xrf0) =	vmax.scan.msk.u32 $0xffff, v6;
	v6 =	vxor.u32 $0x80000000, v7  }
0x285: {  	(xrf0) =	vmax.scan.msk.u32 $0xffff, v6;
	_ =	sdelay $0x3  }
0x286: {  	v6, _, _ =	vpop (xrf0)  }
0x287: {  	(v2sf) =	vpush v6, $0xF;
	v7, _, _ =	vpop (xrf0)  }
0x288: {  	(v2sf) =	vpush v7, $0xF;
	v6, _, _ =	vpop (xrf0)  }
0x289: {  	(v2sf) =	vpush v6, $0xF;
	_ =	sdelay $0x9  }
0x28a: {  	v6 =	vimm.s32 $0x0  }
0x28b: {  	[tilespmem:$0x2400] =	vst v6  }
0x28c: {  	[tilespmem:$0x2410] =	vst v6  }
0x28d: {  	[tilespmem:$0x2420] =	vst v6;
	s31 =	spop (v2sf)  }
0x28e: {  	[tilespmem:$0x2430] =	vst v6;
	s0 =	spop (v2sf)  }
0x28f: {  	[tilespmem:$0x2440] =	vst v6;
	s2 =	spop (v2sf)  }
0x290: {  	v4 =	vsub.s32 v4, v5;
	[tilespmem:$0x2450] =	vst v6;
	s0 =	sxor.u32 $0x80000000, s0;
	s2 =	sxor.u32 $0x80000000, s2  }
0x291: {  	[tilespmem:$0x2460] =	vst v6;
	v5 =	vor.u32 s0, v3;
	v4 =	vadd.s32 s2, v4  }
0x292: {  	s30 =	simm.s32 $0x1020;
	s29 =	simm.s32 $0x0;
	[tilespmem:$0x2470] =	vst v6;
	v3 =	vbroadcast v4, $0x0;
	v4 =	vbroadcast v5, $0x0;
	v5 =	vimm.s32 $0x0  }
.LBB2_19:
0x293: {  	v7 =	vld [tilespmem:s30+$0xFFFFFFE0];
	_ =	sdelay $0x4  }
0x294: {  	vm0 =	veq.s32 v7, v4  }
0x295: {  	v8 =	vsel vm0, $0x1, v0  }
0x296: {  	(xrf0) =	vadd.scan.msk.s32 $0xffff, v8;
	_ =	sdelay $0x5  }
0x297: {  	v8, _, _ =	vpop (xrf0)  }
0x298: {  	v8 =	vadd.s32 v6, v8  }
0x299: {  	vm1 =	vle.s32 v8, v3  }
0x29a: {  	vm2 =	vgt.u32 v7, v4;
	vm1 =	vmand vm0, vm1  }
0x29b: {  	vm1 =	vmor vm2, vm1  }
0x29c: {  	v7 =	vsel vm1, $0x1, v0  }
0x29d: {  	(xrf0) =	vadd.scan.msk.s32 $0xffff, v7;
	_ =	sdelay $0x5  }
0x29e: {  	v7, _, _ =	vpop (xrf0)  }
0x29f: {  	v7 =	vadd.s32 v7, v5  }
0x2a0: {  	v7 =	vadd.s32 $0xFFFFFFFF, v7  }
0x2a1: {  	vm14 =	vgt.s32 v7, $0x0  }
0x2a2: {  	v7 =	vnsel vm14, $0x0, v7;
	_ =	sdelay $0x2  }
0x2a3: {  	s31 =	sadd.s32 s29, s12  }
0x2a4: {  	v8 =	vor.u32 s31, v2  }
0x2a5: {  	[tilespmem:v7+s16+$0x0] =	vst.idx.msk vm1, v8  }
0x2a6: {  	v7 =	vld [tilespmem:s30+$0xFFFFFFF0];
	_ =	sdelay $0x4  }
0x2a7: {  	vm15 =	veq.s32 v7, v4  }
0x2a8: {  	v8 =	vsel vm15, $0x1, v0  }
0x2a9: {  	(xrf0) =	vadd.scan.msk.s32 $0xffff, v8;
	_ =	sdelay $0x1  }
0x2aa: {  	v8 =	vmpcnt.ones.xlane vm0;
	_ =	sdelay $0x3  }
0x2ab: {  	v6 =	vadd.s32 v6, v8;
	v8, _, _ =	vpop (xrf0)  }
0x2ac: {  	v8 =	vadd.s32 v6, v8  }
0x2ad: {  	vm6 =	vle.s32 v8, v3  }
0x2ae: {  	vm3 =	vgt.u32 v7, v4;
	vm0 =	vmand vm15, vm6  }
0x2af: {  	vm0 =	vmor vm3, vm0  }
0x2b0: {  	v7 =	vsel vm0, $0x1, v0  }
0x2b1: {  	(xrf0) =	vadd.scan.msk.s32 $0xffff, v7;
	_ =	sdelay $0x1  }
0x2b2: {  	v7 =	vmpcnt.ones.xlane vm1;
	_ =	sdelay $0x3  }
0x2b3: {  	v5 =	vadd.s32 v5, v7;
	v7, _, _ =	vpop (xrf0)  }
0x2b4: {  	v7 =	vadd.s32 v7, v5  }
0x2b5: {  	v7 =	vadd.s32 $0xFFFFFFFF, v7  }
0x2b6: {  	vm7 =	vgt.s32 v7, $0x0  }
0x2b7: {  	v7 =	vnsel vm7, $0x0, v7;
	_ =	sdelay $0x2  }
0x2b8: {  	s0 =	sadd.s32 $0x10, s31  }
0x2b9: {  	v8 =	vor.u32 s0, v2  }
0x2ba: {  	[tilespmem:v7+s16+$0x0] =	vst.idx.msk vm0, v8  }
0x2bb: {  	v7 =	vld [tilespmem:s30+$0x0];
	_ =	sdelay $0x4  }
0x2bc: {  	vm8 =	veq.s32 v7, v4  }
0x2bd: {  	v8 =	vsel vm8, $0x1, v0  }
0x2be: {  	(xrf0) =	vadd.scan.msk.s32 $0xffff, v8;
	_ =	sdelay $0x1  }
0x2bf: {  	v8 =	vmpcnt.ones.xlane vm15;
	_ =	sdelay $0x3  }
0x2c0: {  	v6 =	vadd.s32 v6, v8;
	v8, _, _ =	vpop (xrf0)  }
0x2c1: {  	v8 =	vadd.s32 v6, v8  }
0x2c2: {  	vm9 =	vle.s32 v8, v3  }
0x2c3: {  	vm10 =	vgt.u32 v7, v4;
	vm2 =	vmand vm8, vm9  }
0x2c4: {  	vm2 =	vmor vm10, vm2  }
0x2c5: {  	v7 =	vsel vm2, $0x1, v0  }
0x2c6: {  	(xrf0) =	vadd.scan.msk.s32 $0xffff, v7;
	_ =	sdelay $0x1  }
0x2c7: {  	v7 =	vmpcnt.ones.xlane vm0;
	_ =	sdelay $0x3  }
0x2c8: {  	v5 =	vadd.s32 v5, v7;
	v7, _, _ =	vpop (xrf0)  }
0x2c9: {  	v7 =	vadd.s32 v7, v5  }
0x2ca: {  	v7 =	vadd.s32 $0xFFFFFFFF, v7  }
0x2cb: {  	vm11 =	vgt.s32 v7, $0x0  }
0x2cc: {  	v7 =	vnsel vm11, $0x0, v7;
	_ =	sdelay $0x2  }
0x2cd: {  	s2 =	sadd.s32 $0x20, s31  }
0x2ce: {  	v8 =	vor.u32 s2, v2  }
0x2cf: {  	[tilespmem:v7+s16+$0x0] =	vst.idx.msk vm2, v8  }
0x2d0: {  	v7 =	vld [tilespmem:s30+$0x10];
	_ =	sdelay $0x4  }
0x2d1: {  	vm12 =	veq.s32 v7, v4  }
0x2d2: {  	v8 =	vsel vm12, $0x1, v0  }
0x2d3: {  	(xrf0) =	vadd.scan.msk.s32 $0xffff, v8;
	_ =	sdelay $0x1  }
0x2d4: {  	v8 =	vmpcnt.ones.xlane vm8;
	_ =	sdelay $0x3  }
0x2d5: {  	v6 =	vadd.s32 v6, v8;
	v8, _, _ =	vpop (xrf0)  }
0x2d6: {  	v8 =	vadd.s32 v6, v8  }
0x2d7: {  	vm13 =	vle.s32 v8, v3  }
0x2d8: {  	vm14 =	vgt.u32 v7, v4;
	vm1 =	vmand vm12, vm13  }
0x2d9: {  	vm1 =	vmor vm14, vm1  }
0x2da: {  	v7 =	vsel vm1, $0x1, v0  }
0x2db: {  	(xrf0) =	vadd.scan.msk.s32 $0xffff, v7;
	_ =	sdelay $0x1  }
0x2dc: {  	v7 =	vmpcnt.ones.xlane vm2;
	_ =	sdelay $0x3  }
0x2dd: {  	v5 =	vadd.s32 v5, v7;
	v7, _, _ =	vpop (xrf0)  }
0x2de: {  	v7 =	vadd.s32 v7, v5  }
0x2df: {  	v7 =	vadd.s32 $0xFFFFFFFF, v7  }
0x2e0: {  	vm15 =	vgt.s32 v7, $0x0  }
0x2e1: {  	p2 =	sne.s32 s29, $0xFC0;
	v7 =	vnsel vm15, $0x0, v7  }
.Ltmp13:
0x2e2: {  	_ = 	snop;
	(pc) =	sbr.rel @p2 .LBB2_19-.Ltmp13, $4  }
0x2e3: {  	_ = 	snop  }
0x2e4: {  	s31 =	sadd.s32 $0x30, s31;
	v9 =	vmpcnt.ones.xlane vm12;
	v8 =	vmpcnt.ones.xlane vm1  }
0x2e5: {  	v10 =	vor.u32 s31, v2  }
0x2e6: {  	s29 =	sadd.s32 $0x40, s29;
	s30 =	sadd.s32 $0x40, s30;
	v6 =	vadd.s32 v6, v9;
	v5 =	vadd.s32 v5, v8;
	[tilespmem:v7+s16+$0x0] =	vst.idx.msk vm1, v10  }
0x2e7: {  	[spmem:s6] =	stream.linear.scatter [tilespmem:s16], [sflag:$0x1], $0x80, $0x38;
	[tilespmem:$0x6510] =	vst v63  }
.Ltmp14:
0x2e8: {  	_ =	swait.ge [sflag:s4], $0x80;
	(pc) =	sbr.rel .LBB2_22-.Ltmp14, $3  }
0x2e9: {  	[sflag:s4] =	ssyncset.done $0x0  }
0x2ea: {  	[sflag:s4] =	ssyncadd.s32 $0xFFFFFF80  }
0x2eb: {  	[bflag:$0x0] =	sbarrier.arrive $0xFFFF;
	_ =	sdelay $0x1  }
.LBB2_24:
0x2ec: {  	_ =	sfence.sel $0x180000  }
0x2ed: {  	[bflag:$0x0] =	sbarrier.arrive $0xFFFF  }
0x2ee: {  	_ =	strace $0x90000047  }
0x2ef: {  	s0 =	stileid.u32;
	[bflag:$0x2] =	sbarrier.arrive $0xFFFF  }
0x2f0: {  	p0 =	sne.s32 s0, $0x0;
	s0 =	rddreg [dreg:$0x4]  }
0x2f1: {  	s0 =	sadd.s32 @!p0 $0x100000, s0  }
0x2f2: {  	[sflag:s0] =	ssyncadd.tile.s32 @!p0 $0x1;
	_ =	shalt  }
.Lfunc_end2:
_tile_overlayer_lowered:
.L_overlay_start_2:
0x2f3: {  	(tag) =	ssettag $0x2  }
0x2f4: {  	s0 =	rddreg [dreg:$0x0];
	s2 =	stileid.u32  }
0x2f5: {  	s1 =	rddreg [dreg:$0x1];
	p0 =	sne.s32 s2, $0x0  }
0x2f6: {  	s3 =	rddreg [dreg:$0x2];
	[bflag:$0x3] =	sbarrier.arrive $0xFFFF;
	s2 =	simm.s32 @!p0 $0x1C01  }
0x2f7: {  	[timem:s3], [sflag:s2] =	dma.local @!p0 [hbm:s0], s1  }
0x2f8: {  	s0 =	simm.s32 @!p0 $0x1  }
0x2f9: {  	_ =	swait.ge @!p0 [sflag:s0], s1  }
0x2fa: {  	s1 =	ssub.s32 @!p0 $0x0, s1;
	[sflag:s0] =	ssyncset.done @!p0 $0x0  }
0x2fb: {  	[sflag:s0] =	ssyncadd.s32 @!p0 s1  }
0x2fc: {  	[bflag:$0x3] =	sbarrier.arrive $0xFFFF  }
0x2fd: {  	_ =	shalt  }

</sc_bundles>
